<compile_context>
chip_gen: v7x
topology: tpu7x:2x2x1
jax: 0.10.2.dev20260603
libtpu: 0.0.44.dev20260713+nightly
codegen_flags: <defaults>
</compile_context>

<pallas_src>
import functools

import jax
import jax.numpy as jnp
from jax import lax
from jax.experimental import pallas as pl
from jax.experimental.pallas import tpu as pltpu
from jax.experimental.pallas import tpu_sc as plsc

VOCAB = 1000
BATCH = 4096
SEQ = 20
SEQP = 24
D = VOCAB
DP = 1024
B = BATCH * SEQP
NC = 2
NS = 16
NW = NC * NS
BPW = B // NW
CHUNK = 32
NCHUNK = BPW // CHUNK


def _make_gather():
    mesh = plsc.VectorSubcoreMesh(core_axis_name="c", subcore_axis_name="s")

    @functools.partial(
        pl.kernel,
        mesh=mesh,
        out_type=jax.ShapeDtypeStruct((B, DP), jnp.float32),
        scratch_types=[
            pltpu.VMEM((BPW,), jnp.int32),
            pltpu.VMEM((CHUNK, DP), jnp.float32),
            pltpu.VMEM((CHUNK, DP), jnp.float32),
            pltpu.VMEM((CHUNK, DP), jnp.float32),
            pltpu.SemaphoreType.DMA,
            pltpu.SemaphoreType.DMA,
            pltpu.SemaphoreType.DMA,
            pltpu.SemaphoreType.DMA,
            pltpu.SemaphoreType.DMA,
            pltpu.SemaphoreType.DMA,
        ],
    )
    def gather_kernel(
        idx_hbm, table_hbm, out_hbm,
        idx_v, rows0, rows1, rows2, g0, g1, g2, w0, w1, w2,
    ):
        wid = lax.axis_index("s") * NC + lax.axis_index("c")
        base = wid * BPW
        bufs = (rows0, rows1, rows2)
        gsems = (g0, g1, g2)
        wsems = (w0, w1, w2)
        pltpu.sync_copy(idx_hbm.at[pl.ds(base, BPW)], idx_v)

        def start_gather(c, b):
            pltpu.async_copy(
                table_hbm.at[idx_v.at[pl.ds(c * CHUNK, CHUNK)]], bufs[b], gsems[b]
            )

        def wait_gather(b):
            pltpu.make_async_copy(
                table_hbm.at[idx_v.at[pl.ds(0, CHUNK)]], bufs[b], gsems[b]
            ).wait()

        def start_write(c, b):
            pltpu.async_copy(bufs[b], out_hbm.at[pl.ds(base + c * CHUNK, CHUNK)], wsems[b])

        def wait_write(b):
            pltpu.make_async_copy(bufs[b], out_hbm.at[pl.ds(base, CHUNK)], wsems[b]).wait()

        start_gather(0, 0)
        start_gather(1, 1)
        start_gather(2, 2)
        wait_gather(0)
        start_write(0, 0)

        def body(c):
            for u in range(3):
                r = (1 + u) % 3
                rn = u % 3
                wait_write(rn)
                start_gather(c + u + 2, rn)
                wait_gather(r)
                start_write(c + u, r)

        pl.loop(1, NCHUNK - 2, step=3)(body)

        for cc in (NCHUNK - 2, NCHUNK - 1):
            r = cc % 3
            wait_gather(r)
            start_write(cc, r)

        for b in range(3):
            wait_write(b)

    return gather_kernel


_gather = _make_gather()


@jax.jit
def kernel(idx, table):
    idx_p = jnp.pad(idx.astype(jnp.int32), ((0, 0), (0, SEQP - SEQ)), mode="edge")
    table_p = jnp.pad(table, ((0, 0), (0, DP - D)))
    out = _gather(idx_p.reshape(B), table_p)
    return out.reshape(BATCH, SEQP, DP)[:, :SEQ, :D]

# --- scband reference (transcript-rebuilt; emitter-appended) ---
"""Pipeline reference for scband-bigram-lm-12421045420113 (READ-ONLY COPY).

The authoritative reference and input builder live on the scoring server;
editing this copy changes nothing except your own understanding.
"""

import jax, jax.numpy as jnp
import numpy as np

VOCAB = 1000
BATCH = 4096
SEQ = 20

def setup_inputs(seed: int = 0) -> dict:
    key = jax.random.key(seed)
    k1, k2 = jax.random.split(key)
    idx = jax.random.randint(k1, (BATCH, SEQ), 0, VOCAB, dtype=jnp.int64 if jax.config.jax_enable_x64 else jnp.int32)
    table = jax.random.normal(k2, (VOCAB, VOCAB), dtype=jnp.float32)
    return {"idx": idx, "table": table}

def reference(idx, table):
    # nn.Embedding lookup: logits = table[idx] -> [B, S, VOCAB]
    return jnp.take(table, idx, axis=0)

if __name__ == "__main__":
    import jax
    _d = setup_inputs()
    print(jax.jit(kernel)(*tuple(_d.values())))

</pallas_src>

<mosaic_0001>
#map = affine_map<(d0, d1) -> (0)>
#map1 = affine_map<(d0, d1) -> (0, 0)>
module attributes {stable_mosaic.version = 14 : i64} {
  func.func @gather_kernel(%arg0: i32, %arg1: i32, %arg2: memref<98304xi32, #tpu.memory_space<hbm>>, %arg3: memref<1000x1024xf32, #tpu.memory_space<hbm>>, %arg4: memref<98304x1024xf32, #tpu.memory_space<hbm>>, %arg5: memref<3072xi32, #tpu.memory_space<vmem>>, %arg6: memref<32x1024xf32, #tpu.memory_space<vmem>>, %arg7: memref<32x1024xf32, #tpu.memory_space<vmem>>, %arg8: memref<32x1024xf32, #tpu.memory_space<vmem>>, %arg9: memref<!tpu.dma_semaphore, #tpu.memory_space<semaphore_mem>>, %arg10: memref<!tpu.dma_semaphore, #tpu.memory_space<semaphore_mem>>, %arg11: memref<!tpu.dma_semaphore, #tpu.memory_space<semaphore_mem>>, %arg12: memref<!tpu.dma_semaphore, #tpu.memory_space<semaphore_mem>>, %arg13: memref<!tpu.dma_semaphore, #tpu.memory_space<semaphore_mem>>, %arg14: memref<!tpu.dma_semaphore, #tpu.memory_space<semaphore_mem>>) attributes {dimension_semantics = [#tpu.dimension_semantics<core_parallel>, #tpu.dimension_semantics<subcore_parallel>], iteration_bounds = array<i64: 2, 16>, scalar_prefetch = 0 : i64, scratch_operands = 10 : i64, tpu.core_type = #tpu.core_type<sc_vector_subcore>, window_params = [{transform_indices = #map}, {transform_indices = #map1}, {transform_indices = #map1}]} {
    %mul3A = arith.constant 2 : i32
    %mul3A_0 = arith.muli %arg1, %mul3A : i32
    %add3A = arith.addi %mul3A_0, %arg0 : i32
    %mul3A_1 = arith.constant 3072 : i32
    %mul3A_2 = arith.muli %add3A, %mul3A_1 : i32
    "tpu.region"() ({
      %run_scoped3A = tpu.sem_alloc : memref<!tpu.dma_semaphore, #tpu.memory_space<semaphore_mem>>
      %dma_start3A_65 = tpu.memref_slice %arg2[%mul3A_2] : memref<98304xi32, #tpu.memory_space<hbm>> -> memref<3072xi32, #tpu.memory_space<hbm>>
      %dma_start3A_66 = tpu.memref_slice %arg2[%mul3A_2] : memref<98304xi32, #tpu.memory_space<hbm>> -> memref<3072xi32, #tpu.memory_space<hbm>>
      tpu.enqueue_dma source(%dma_start3A_66 : memref<3072xi32, #tpu.memory_space<hbm>>) target(%arg5 : memref<3072xi32, #tpu.memory_space<vmem>>) target_semaphore(%run_scoped3A : memref<!tpu.dma_semaphore, #tpu.memory_space<semaphore_mem>>)
      %dma_wait3A_67 = tpu.memref_slice %arg2[%mul3A_2] : memref<98304xi32, #tpu.memory_space<hbm>> -> memref<3072xi32, #tpu.memory_space<hbm>>
      %dma_wait3A_68 = tpu.memref_slice %arg2[%mul3A_2] : memref<98304xi32, #tpu.memory_space<hbm>> -> memref<3072xi32, #tpu.memory_space<hbm>>
      tpu.wait_dma2 semaphore(%run_scoped3A : memref<!tpu.dma_semaphore, #tpu.memory_space<semaphore_mem>>) src(%dma_wait3A_68 : memref<3072xi32, #tpu.memory_space<hbm>>) dst(%arg5 : memref<3072xi32, #tpu.memory_space<vmem>>)
      tpu.yield
    }) : () -> ()
    %dma_start3A = arith.constant 0 : i32
    %dma_start3A_3 = tpu.memref_slice %arg5[%dma_start3A] : memref<3072xi32, #tpu.memory_space<vmem>> -> memref<32xi32, #tpu.memory_space<vmem>>
    %dma_start3A_4 = arith.constant 0 : i32
    %dma_start3A_5 = arith.constant 0 : i32
    %dma_start3A_6 = tpu.memref_slice %arg3[%dma_start3A_4, %dma_start3A_5] : memref<1000x1024xf32, #tpu.memory_space<hbm>> -> memref<1000x1024xf32, #tpu.memory_space<hbm>>
    tpu.enqueue_indirect_dma source(%dma_start3A_6 : memref<1000x1024xf32, #tpu.memory_space<hbm>>) target(%arg6 : memref<32x1024xf32, #tpu.memory_space<vmem>>) offsets(%dma_start3A_3 : memref<32xi32, #tpu.memory_space<vmem>>) semaphore(%arg9 : memref<!tpu.dma_semaphore, #tpu.memory_space<semaphore_mem>>)
    %dma_start3A_7 = arith.constant 32 : i32
    %dma_start3A_8 = tpu.memref_slice %arg5[%dma_start3A_7] : memref<3072xi32, #tpu.memory_space<vmem>> -> memref<32xi32, #tpu.memory_space<vmem>>
    %dma_start3A_9 = arith.constant 0 : i32
    %dma_start3A_10 = arith.constant 0 : i32
    %dma_start3A_11 = tpu.memref_slice %arg3[%dma_start3A_9, %dma_start3A_10] : memref<1000x1024xf32, #tpu.memory_space<hbm>> -> memref<1000x1024xf32, #tpu.memory_space<hbm>>
    tpu.enqueue_indirect_dma source(%dma_start3A_11 : memref<1000x1024xf32, #tpu.memory_space<hbm>>) target(%arg7 : memref<32x1024xf32, #tpu.memory_space<vmem>>) offsets(%dma_start3A_8 : memref<32xi32, #tpu.memory_space<vmem>>) semaphore(%arg10 : memref<!tpu.dma_semaphore, #tpu.memory_space<semaphore_mem>>)
    %dma_start3A_12 = arith.constant 64 : i32
    %dma_start3A_13 = tpu.memref_slice %arg5[%dma_start3A_12] : memref<3072xi32, #tpu.memory_space<vmem>> -> memref<32xi32, #tpu.memory_space<vmem>>
    %dma_start3A_14 = arith.constant 0 : i32
    %dma_start3A_15 = arith.constant 0 : i32
    %dma_start3A_16 = tpu.memref_slice %arg3[%dma_start3A_14, %dma_start3A_15] : memref<1000x1024xf32, #tpu.memory_space<hbm>> -> memref<1000x1024xf32, #tpu.memory_space<hbm>>
    tpu.enqueue_indirect_dma source(%dma_start3A_16 : memref<1000x1024xf32, #tpu.memory_space<hbm>>) target(%arg8 : memref<32x1024xf32, #tpu.memory_space<vmem>>) offsets(%dma_start3A_13 : memref<32xi32, #tpu.memory_space<vmem>>) semaphore(%arg11 : memref<!tpu.dma_semaphore, #tpu.memory_space<semaphore_mem>>)
    %dma_wait3A = arith.constant 0 : i32
    %dma_wait3A_17 = tpu.memref_slice %arg5[%dma_wait3A] : memref<3072xi32, #tpu.memory_space<vmem>> -> memref<32xi32, #tpu.memory_space<vmem>>
    %dma_wait3A_18 = arith.constant 0 : i32
    %dma_wait3A_19 = arith.constant 0 : i32
    %dma_wait3A_20 = tpu.memref_slice %arg3[%dma_wait3A_18, %dma_wait3A_19] : memref<1000x1024xf32, #tpu.memory_space<hbm>> -> memref<1000x1024xf32, #tpu.memory_space<hbm>>
    tpu.wait_indirect_dma semaphore(%arg9 : memref<!tpu.dma_semaphore, #tpu.memory_space<semaphore_mem>>) src(%dma_wait3A_20 : memref<1000x1024xf32, #tpu.memory_space<hbm>>) dst(%arg6 : memref<32x1024xf32, #tpu.memory_space<vmem>>)
    %add3A_21 = arith.constant 0 : i32
    %add3A_22 = arith.addi %mul3A_2, %add3A_21 : i32
    %dma_start3A_23 = arith.constant 0 : i32
    %dma_start3A_24 = tpu.memref_slice %arg4[%add3A_22, %dma_start3A_23] : memref<98304x1024xf32, #tpu.memory_space<hbm>> -> memref<32x1024xf32, #tpu.memory_space<hbm>>
    %dma_start3A_25 = arith.constant 0 : i32
    %dma_start3A_26 = tpu.memref_slice %arg4[%add3A_22, %dma_start3A_25] : memref<98304x1024xf32, #tpu.memory_space<hbm>> -> memref<32x1024xf32, #tpu.memory_space<hbm>>
    tpu.enqueue_dma source(%arg6 : memref<32x1024xf32, #tpu.memory_space<vmem>>) target(%dma_start3A_26 : memref<32x1024xf32, #tpu.memory_space<hbm>>) target_semaphore(%arg12 : memref<!tpu.dma_semaphore, #tpu.memory_space<semaphore_mem>>)
    %scan3A = arith.constant 0 : i32
    %scan3A_27 = arith.constant 31 : i32
    %scan3A_28 = arith.addi %scan3A, %scan3A_27 : i32
    %scan3A_29 = arith.constant 1 : i32
    scf.for %scan3A_65 = %scan3A to %scan3A_28 step %scan3A_29  : i32 {
      %mul3A_66 = arith.constant 3 : i32
      %mul3A_67 = arith.muli %scan3A_65, %mul3A_66 : i32
      %add3A_68 = arith.constant 1 : i32
      %add3A_69 = arith.addi %add3A_68, %mul3A_67 : i32
      %dma_wait3A_70 = arith.constant 0 : i32
      %dma_wait3A_71 = tpu.memref_slice %arg4[%mul3A_2, %dma_wait3A_70] : memref<98304x1024xf32, #tpu.memory_space<hbm>> -> memref<32x1024xf32, #tpu.memory_space<hbm>>
      %dma_wait3A_72 = arith.constant 0 : i32
      %dma_wait3A_73 = tpu.memref_slice %arg4[%mul3A_2, %dma_wait3A_72] : memref<98304x1024xf32, #tpu.memory_space<hbm>> -> memref<32x1024xf32, #tpu.memory_space<hbm>>
      tpu.wait_dma2 semaphore(%arg12 : memref<!tpu.dma_semaphore, #tpu.memory_space<semaphore_mem>>) src(%arg6 : memref<32x1024xf32, #tpu.memory_space<vmem>>) dst(%dma_wait3A_73 : memref<32x1024xf32, #tpu.memory_space<hbm>>)
      %add3A_74 = arith.constant 0 : i32
      %add3A_75 = arith.addi %add3A_69, %add3A_74 : i32
      %add3A_76 = arith.constant 2 : i32
      %add3A_77 = arith.addi %add3A_75, %add3A_76 : i32
      %mul3A_78 = arith.constant 32 : i32
      %mul3A_79 = arith.muli %add3A_77, %mul3A_78 : i32
      %dma_start3A_80 = tpu.memref_slice %arg5[%mul3A_79] : memref<3072xi32, #tpu.memory_space<vmem>> -> memref<32xi32, #tpu.memory_space<vmem>>
      %dma_start3A_81 = arith.constant 0 : i32
      %dma_start3A_82 = arith.constant 0 : i32
      %dma_start3A_83 = tpu.memref_slice %arg3[%dma_start3A_81, %dma_start3A_82] : memref<1000x1024xf32, #tpu.memory_space<hbm>> -> memref<1000x1024xf32, #tpu.memory_space<hbm>>
      tpu.enqueue_indirect_dma source(%dma_start3A_83 : memref<1000x1024xf32, #tpu.memory_space<hbm>>) target(%arg6 : memref<32x1024xf32, #tpu.memory_space<vmem>>) offsets(%dma_start3A_80 : memref<32xi32, #tpu.memory_space<vmem>>) semaphore(%arg9 : memref<!tpu.dma_semaphore, #tpu.memory_space<semaphore_mem>>)
      %dma_wait3A_84 = arith.constant 0 : i32
      %dma_wait3A_85 = tpu.memref_slice %arg5[%dma_wait3A_84] : memref<3072xi32, #tpu.memory_space<vmem>> -> memref<32xi32, #tpu.memory_space<vmem>>
      %dma_wait3A_86 = arith.constant 0 : i32
      %dma_wait3A_87 = arith.constant 0 : i32
      %dma_wait3A_88 = tpu.memref_slice %arg3[%dma_wait3A_86, %dma_wait3A_87] : memref<1000x1024xf32, #tpu.memory_space<hbm>> -> memref<1000x1024xf32, #tpu.memory_space<hbm>>
      tpu.wait_indirect_dma semaphore(%arg10 : memref<!tpu.dma_semaphore, #tpu.memory_space<semaphore_mem>>) src(%dma_wait3A_88 : memref<1000x1024xf32, #tpu.memory_space<hbm>>) dst(%arg7 : memref<32x1024xf32, #tpu.memory_space<vmem>>)
      %add3A_89 = arith.constant 0 : i32
      %add3A_90 = arith.addi %add3A_69, %add3A_89 : i32
      %mul3A_91 = arith.constant 32 : i32
      %mul3A_92 = arith.muli %add3A_90, %mul3A_91 : i32
      %add3A_93 = arith.addi %mul3A_2, %mul3A_92 : i32
      %dma_start3A_94 = arith.constant 0 : i32
      %dma_start3A_95 = tpu.memref_slice %arg4[%add3A_93, %dma_start3A_94] : memref<98304x1024xf32, #tpu.memory_space<hbm>> -> memref<32x1024xf32, #tpu.memory_space<hbm>>
      %dma_start3A_96 = arith.constant 0 : i32
      %dma_start3A_97 = tpu.memref_slice %arg4[%add3A_93, %dma_start3A_96] : memref<98304x1024xf32, #tpu.memory_space<hbm>> -> memref<32x1024xf32, #tpu.memory_space<hbm>>
      tpu.enqueue_dma source(%arg7 : memref<32x1024xf32, #tpu.memory_space<vmem>>) target(%dma_start3A_97 : memref<32x1024xf32, #tpu.memory_space<hbm>>) target_semaphore(%arg13 : memref<!tpu.dma_semaphore, #tpu.memory_space<semaphore_mem>>)
      %dma_wait3A_98 = arith.constant 0 : i32
      %dma_wait3A_99 = tpu.memref_slice %arg4[%mul3A_2, %dma_wait3A_98] : memref<98304x1024xf32, #tpu.memory_space<hbm>> -> memref<32x1024xf32, #tpu.memory_space<hbm>>
      %dma_wait3A_100 = arith.constant 0 : i32
      %dma_wait3A_101 = tpu.memref_slice %arg4[%mul3A_2, %dma_wait3A_100] : memref<98304x1024xf32, #tpu.memory_space<hbm>> -> memref<32x1024xf32, #tpu.memory_space<hbm>>
      tpu.wait_dma2 semaphore(%arg13 : memref<!tpu.dma_semaphore, #tpu.memory_space<semaphore_mem>>) src(%arg7 : memref<32x1024xf32, #tpu.memory_space<vmem>>) dst(%dma_wait3A_101 : memref<32x1024xf32, #tpu.memory_space<hbm>>)
      %add3A_102 = arith.constant 1 : i32
      %add3A_103 = arith.addi %add3A_69, %add3A_102 : i32
      %add3A_104 = arith.constant 2 : i32
      %add3A_105 = arith.addi %add3A_103, %add3A_104 : i32
      %mul3A_106 = arith.constant 32 : i32
      %mul3A_107 = arith.muli %add3A_105, %mul3A_106 : i32
      %dma_start3A_108 = tpu.memref_slice %arg5[%mul3A_107] : memref<3072xi32, #tpu.memory_space<vmem>> -> memref<32xi32, #tpu.memory_space<vmem>>
      %dma_start3A_109 = arith.constant 0 : i32
      %dma_start3A_110 = arith.constant 0 : i32
      %dma_start3A_111 = tpu.memref_slice %arg3[%dma_start3A_109, %dma_start3A_110] : memref<1000x1024xf32, #tpu.memory_space<hbm>> -> memref<1000x1024xf32, #tpu.memory_space<hbm>>
      tpu.enqueue_indirect_dma source(%dma_start3A_111 : memref<1000x1024xf32, #tpu.memory_space<hbm>>) target(%arg7 : memref<32x1024xf32, #tpu.memory_space<vmem>>) offsets(%dma_start3A_108 : memref<32xi32, #tpu.memory_space<vmem>>) semaphore(%arg10 : memref<!tpu.dma_semaphore, #tpu.memory_space<semaphore_mem>>)
      %dma_wait3A_112 = arith.constant 0 : i32
      %dma_wait3A_113 = tpu.memref_slice %arg5[%dma_wait3A_112] : memref<3072xi32, #tpu.memory_space<vmem>> -> memref<32xi32, #tpu.memory_space<vmem>>
      %dma_wait3A_114 = arith.constant 0 : i32
      %dma_wait3A_115 = arith.constant 0 : i32
      %dma_wait3A_116 = tpu.memref_slice %arg3[%dma_wait3A_114, %dma_wait3A_115] : memref<1000x1024xf32, #tpu.memory_space<hbm>> -> memref<1000x1024xf32, #tpu.memory_space<hbm>>
      tpu.wait_indirect_dma semaphore(%arg11 : memref<!tpu.dma_semaphore, #tpu.memory_space<semaphore_mem>>) src(%dma_wait3A_116 : memref<1000x1024xf32, #tpu.memory_space<hbm>>) dst(%arg8 : memref<32x1024xf32, #tpu.memory_space<vmem>>)
      %add3A_117 = arith.constant 1 : i32
      %add3A_118 = arith.addi %add3A_69, %add3A_117 : i32
      %mul3A_119 = arith.constant 32 : i32
      %mul3A_120 = arith.muli %add3A_118, %mul3A_119 : i32
      %add3A_121 = arith.addi %mul3A_2, %mul3A_120 : i32
      %dma_start3A_122 = arith.constant 0 : i32
      %dma_start3A_123 = tpu.memref_slice %arg4[%add3A_121, %dma_start3A_122] : memref<98304x1024xf32, #tpu.memory_space<hbm>> -> memref<32x1024xf32, #tpu.memory_space<hbm>>
      %dma_start3A_124 = arith.constant 0 : i32
      %dma_start3A_125 = tpu.memref_slice %arg4[%add3A_121, %dma_start3A_124] : memref<98304x1024xf32, #tpu.memory_space<hbm>> -> memref<32x1024xf32, #tpu.memory_space<hbm>>
      tpu.enqueue_dma source(%arg8 : memref<32x1024xf32, #tpu.memory_space<vmem>>) target(%dma_start3A_125 : memref<32x1024xf32, #tpu.memory_space<hbm>>) target_semaphore(%arg14 : memref<!tpu.dma_semaphore, #tpu.memory_space<semaphore_mem>>)
      %dma_wait3A_126 = arith.constant 0 : i32
      %dma_wait3A_127 = tpu.memref_slice %arg4[%mul3A_2, %dma_wait3A_126] : memref<98304x1024xf32, #tpu.memory_space<hbm>> -> memref<32x1024xf32, #tpu.memory_space<hbm>>
      %dma_wait3A_128 = arith.constant 0 : i32
      %dma_wait3A_129 = tpu.memref_slice %arg4[%mul3A_2, %dma_wait3A_128] : memref<98304x1024xf32, #tpu.memory_space<hbm>> -> memref<32x1024xf32, #tpu.memory_space<hbm>>
      tpu.wait_dma2 semaphore(%arg14 : memref<!tpu.dma_semaphore, #tpu.memory_space<semaphore_mem>>) src(%arg8 : memref<32x1024xf32, #tpu.memory_space<vmem>>) dst(%dma_wait3A_129 : memref<32x1024xf32, #tpu.memory_space<hbm>>)
      %add3A_130 = arith.constant 2 : i32
      %add3A_131 = arith.addi %add3A_69, %add3A_130 : i32
      %add3A_132 = arith.constant 2 : i32
      %add3A_133 = arith.addi %add3A_131, %add3A_132 : i32
      %mul3A_134 = arith.constant 32 : i32
      %mul3A_135 = arith.muli %add3A_133, %mul3A_134 : i32
      %dma_start3A_136 = tpu.memref_slice %arg5[%mul3A_135] : memref<3072xi32, #tpu.memory_space<vmem>> -> memref<32xi32, #tpu.memory_space<vmem>>
      %dma_start3A_137 = arith.constant 0 : i32
      %dma_start3A_138 = arith.constant 0 : i32
      %dma_start3A_139 = tpu.memref_slice %arg3[%dma_start3A_137, %dma_start3A_138] : memref<1000x1024xf32, #tpu.memory_space<hbm>> -> memref<1000x1024xf32, #tpu.memory_space<hbm>>
      tpu.enqueue_indirect_dma source(%dma_start3A_139 : memref<1000x1024xf32, #tpu.memory_space<hbm>>) target(%arg8 : memref<32x1024xf32, #tpu.memory_space<vmem>>) offsets(%dma_start3A_136 : memref<32xi32, #tpu.memory_space<vmem>>) semaphore(%arg11 : memref<!tpu.dma_semaphore, #tpu.memory_space<semaphore_mem>>)
      %dma_wait3A_140 = arith.constant 0 : i32
      %dma_wait3A_141 = tpu.memref_slice %arg5[%dma_wait3A_140] : memref<3072xi32, #tpu.memory_space<vmem>> -> memref<32xi32, #tpu.memory_space<vmem>>
      %dma_wait3A_142 = arith.constant 0 : i32
      %dma_wait3A_143 = arith.constant 0 : i32
      %dma_wait3A_144 = tpu.memref_slice %arg3[%dma_wait3A_142, %dma_wait3A_143] : memref<1000x1024xf32, #tpu.memory_space<hbm>> -> memref<1000x1024xf32, #tpu.memory_space<hbm>>
      tpu.wait_indirect_dma semaphore(%arg9 : memref<!tpu.dma_semaphore, #tpu.memory_space<semaphore_mem>>) src(%dma_wait3A_144 : memref<1000x1024xf32, #tpu.memory_space<hbm>>) dst(%arg6 : memref<32x1024xf32, #tpu.memory_space<vmem>>)
      %add3A_145 = arith.constant 2 : i32
      %add3A_146 = arith.addi %add3A_69, %add3A_145 : i32
      %mul3A_147 = arith.constant 32 : i32
      %mul3A_148 = arith.muli %add3A_146, %mul3A_147 : i32
      %add3A_149 = arith.addi %mul3A_2, %mul3A_148 : i32
      %dma_start3A_150 = arith.constant 0 : i32
      %dma_start3A_151 = tpu.memref_slice %arg4[%add3A_149, %dma_start3A_150] : memref<98304x1024xf32, #tpu.memory_space<hbm>> -> memref<32x1024xf32, #tpu.memory_space<hbm>>
      %dma_start3A_152 = arith.constant 0 : i32
      %dma_start3A_153 = tpu.memref_slice %arg4[%add3A_149, %dma_start3A_152] : memref<98304x1024xf32, #tpu.memory_space<hbm>> -> memref<32x1024xf32, #tpu.memory_space<hbm>>
      tpu.enqueue_dma source(%arg6 : memref<32x1024xf32, #tpu.memory_space<vmem>>) target(%dma_start3A_153 : memref<32x1024xf32, #tpu.memory_space<hbm>>) target_semaphore(%arg12 : memref<!tpu.dma_semaphore, #tpu.memory_space<semaphore_mem>>)
    }
    %scan3A_30 = arith.constant 31 : i32
    %dma_wait3A_31 = arith.constant 0 : i32
    %dma_wait3A_32 = tpu.memref_slice %arg5[%dma_wait3A_31] : memref<3072xi32, #tpu.memory_space<vmem>> -> memref<32xi32, #tpu.memory_space<vmem>>
    %dma_wait3A_33 = arith.constant 0 : i32
    %dma_wait3A_34 = arith.constant 0 : i32
    %dma_wait3A_35 = tpu.memref_slice %arg3[%dma_wait3A_33, %dma_wait3A_34] : memref<1000x1024xf32, #tpu.memory_space<hbm>> -> memref<1000x1024xf32, #tpu.memory_space<hbm>>
    tpu.wait_indirect_dma semaphore(%arg10 : memref<!tpu.dma_semaphore, #tpu.memory_space<semaphore_mem>>) src(%dma_wait3A_35 : memref<1000x1024xf32, #tpu.memory_space<hbm>>) dst(%arg7 : memref<32x1024xf32, #tpu.memory_space<vmem>>)
    %add3A_36 = arith.constant 3008 : i32
    %add3A_37 = arith.addi %mul3A_2, %add3A_36 : i32
    %dma_start3A_38 = arith.constant 0 : i32
    %dma_start3A_39 = tpu.memref_slice %arg4[%add3A_37, %dma_start3A_38] : memref<98304x1024xf32, #tpu.memory_space<hbm>> -> memref<32x1024xf32, #tpu.memory_space<hbm>>
    %dma_start3A_40 = arith.constant 0 : i32
    %dma_start3A_41 = tpu.memref_slice %arg4[%add3A_37, %dma_start3A_40] : memref<98304x1024xf32, #tpu.memory_space<hbm>> -> memref<32x1024xf32, #tpu.memory_space<hbm>>
    tpu.enqueue_dma source(%arg7 : memref<32x1024xf32, #tpu.memory_space<vmem>>) target(%dma_start3A_41 : memref<32x1024xf32, #tpu.memory_space<hbm>>) target_semaphore(%arg13 : memref<!tpu.dma_semaphore, #tpu.memory_space<semaphore_mem>>)
    %dma_wait3A_42 = arith.constant 0 : i32
    %dma_wait3A_43 = tpu.memref_slice %arg5[%dma_wait3A_42] : memref<3072xi32, #tpu.memory_space<vmem>> -> memref<32xi32, #tpu.memory_space<vmem>>
    %dma_wait3A_44 = arith.constant 0 : i32
    %dma_wait3A_45 = arith.constant 0 : i32
    %dma_wait3A_46 = tpu.memref_slice %arg3[%dma_wait3A_44, %dma_wait3A_45] : memref<1000x1024xf32, #tpu.memory_space<hbm>> -> memref<1000x1024xf32, #tpu.memory_space<hbm>>
    tpu.wait_indirect_dma semaphore(%arg11 : memref<!tpu.dma_semaphore, #tpu.memory_space<semaphore_mem>>) src(%dma_wait3A_46 : memref<1000x1024xf32, #tpu.memory_space<hbm>>) dst(%arg8 : memref<32x1024xf32, #tpu.memory_space<vmem>>)
    %add3A_47 = arith.constant 3040 : i32
    %add3A_48 = arith.addi %mul3A_2, %add3A_47 : i32
    %dma_start3A_49 = arith.constant 0 : i32
    %dma_start3A_50 = tpu.memref_slice %arg4[%add3A_48, %dma_start3A_49] : memref<98304x1024xf32, #tpu.memory_space<hbm>> -> memref<32x1024xf32, #tpu.memory_space<hbm>>
    %dma_start3A_51 = arith.constant 0 : i32
    %dma_start3A_52 = tpu.memref_slice %arg4[%add3A_48, %dma_start3A_51] : memref<98304x1024xf32, #tpu.memory_space<hbm>> -> memref<32x1024xf32, #tpu.memory_space<hbm>>
    tpu.enqueue_dma source(%arg8 : memref<32x1024xf32, #tpu.memory_space<vmem>>) target(%dma_start3A_52 : memref<32x1024xf32, #tpu.memory_space<hbm>>) target_semaphore(%arg14 : memref<!tpu.dma_semaphore, #tpu.memory_space<semaphore_mem>>)
    %dma_wait3A_53 = arith.constant 0 : i32
    %dma_wait3A_54 = tpu.memref_slice %arg4[%mul3A_2, %dma_wait3A_53] : memref<98304x1024xf32, #tpu.memory_space<hbm>> -> memref<32x1024xf32, #tpu.memory_space<hbm>>
    %dma_wait3A_55 = arith.constant 0 : i32
    %dma_wait3A_56 = tpu.memref_slice %arg4[%mul3A_2, %dma_wait3A_55] : memref<98304x1024xf32, #tpu.memory_space<hbm>> -> memref<32x1024xf32, #tpu.memory_space<hbm>>
    tpu.wait_dma2 semaphore(%arg12 : memref<!tpu.dma_semaphore, #tpu.memory_space<semaphore_mem>>) src(%arg6 : memref<32x1024xf32, #tpu.memory_space<vmem>>) dst(%dma_wait3A_56 : memref<32x1024xf32, #tpu.memory_space<hbm>>)
    %dma_wait3A_57 = arith.constant 0 : i32
    %dma_wait3A_58 = tpu.memref_slice %arg4[%mul3A_2, %dma_wait3A_57] : memref<98304x1024xf32, #tpu.memory_space<hbm>> -> memref<32x1024xf32, #tpu.memory_space<hbm>>
    %dma_wait3A_59 = arith.constant 0 : i32
    %dma_wait3A_60 = tpu.memref_slice %arg4[%mul3A_2, %dma_wait3A_59] : memref<98304x1024xf32, #tpu.memory_space<hbm>> -> memref<32x1024xf32, #tpu.memory_space<hbm>>
    tpu.wait_dma2 semaphore(%arg13 : memref<!tpu.dma_semaphore, #tpu.memory_space<semaphore_mem>>) src(%arg7 : memref<32x1024xf32, #tpu.memory_space<vmem>>) dst(%dma_wait3A_60 : memref<32x1024xf32, #tpu.memory_space<hbm>>)
    %dma_wait3A_61 = arith.constant 0 : i32
    %dma_wait3A_62 = tpu.memref_slice %arg4[%mul3A_2, %dma_wait3A_61] : memref<98304x1024xf32, #tpu.memory_space<hbm>> -> memref<32x1024xf32, #tpu.memory_space<hbm>>
    %dma_wait3A_63 = arith.constant 0 : i32
    %dma_wait3A_64 = tpu.memref_slice %arg4[%mul3A_2, %dma_wait3A_63] : memref<98304x1024xf32, #tpu.memory_space<hbm>> -> memref<32x1024xf32, #tpu.memory_space<hbm>>
    tpu.wait_dma2 semaphore(%arg14 : memref<!tpu.dma_semaphore, #tpu.memory_space<semaphore_mem>>) src(%arg8 : memref<32x1024xf32, #tpu.memory_space<vmem>>) dst(%dma_wait3A_64 : memref<32x1024xf32, #tpu.memory_space<hbm>>)
    return
  }
}

</mosaic_0001>

<sc_bundles>
// kernel: kernel.3.cloned.1.call-start
scs
__scs_entry_jumppad:
0x0: {  	(pc) =	sbr.rel $0x88, $3  }
0x1: {  	(tag) =	ssettag $0x0;
	lr =	simm.s32 $0x1  }
0x2: {  	[smem:$0x3F9F] =	sst lr;
	_ =	strace $0xD0000000  }
0x3: {  	_ = 	snop  }
0x4: {  	_ = 	snop  }
0x5: {  	_ = 	snop  }
0x6: {  	_ = 	snop  }
0x7: {  	_ = 	snop  }
__scs_overlays_trampoline_lowered:
0x8: {  	[smem:$0x3FAE] =	sst s0  }
0x9: {  	[smem:$0x3FAF] =	sst s1  }
0xa: {  	[smem:$0x3FB0] =	sst s2  }
0xb: {  	[smem:$0x3FB1] =	sst s3  }
0xc: {  	[smem:$0x3FB2] =	sst s4  }
0xd: {  	[smem:$0x3FB3] =	sst s5  }
0xe: {  	[smem:$0x3FB4] =	sst s6  }
0xf: {  	[smem:$0x3FB5] =	sst s7  }
0x10: {  	[smem:$0x3FB6] =	sst s8  }
0x11: {  	[smem:$0x3FB7] =	sst s9;
	s0 =	simm.s32 @!p0 $0x0  }
0x12: {  	s1 =	sld [smem:$0x3F9D];
	s0 =	simm.s32 @p0 $0x1  }
0x13: {  	[smem:$0x3FB8] =	sst s0;
	s0 =	simm.s32 @!p1 $0x0  }
0x14: {  	s2 =	sld [smem:$0x3F9C];
	s0 =	simm.s32 @p1 $0x1  }
0x15: {  	[smem:$0x3FB9] =	sst s0;
	s0 =	simm.s32 @!p2 $0x0  }
0x16: {  	s3 =	sld [smem:$0x3FDB];
	s0 =	simm.s32 @p2 $0x1  }
0x17: {  	s4 =	simm.s32 $0x1BF5;
	[smem:$0x3FBB] =	sst s0  }
0x18: {  	s0 =	sld [smem:$0x3F9E];
	_ =	swait.ge [sflag:s4], $0x0  }
0x19: {  	s7 =	sld [smem:$0x3F9F]  }
0x1a: {  	s8 =	sadd.s32 $0xFFFFE003, lr  }
0x1b: {  	s9 =	sadd.s32 $0xFFFFFEF7, lr;
	s5 =	simm.s32 $0xFFFFFFFF;
	p2 =	slt.u32 s8, $0xFFFFF086  }
0x1c: {  	p1 =	slt.u32 s9, $0xF7A;
	s5 =	simm.s32 @!p2 $0x0  }
0x1d: {  	s5 =	simm.s32 @p1 $0x1;
	p0 =	seq.s32 s7, s2  }
0x1e: {  	s7 =	smul.u32 @!p0 $0xF7A, s2;
	p2 =	seq.s32 @!p0 s5, $0x0  }
0x1f: {  	s9 =	smul.u32 $0xF7A, s1;
	s8 =	simm.s32 @!p0 $0x1BF5;
	p2 =	por !p2, p0  }
0x20: {  	[sflag:s8] =	ssyncset.s32 @!p0 $0xFFFFF086;
	s6 =	sadd.s32 @!p0 s3, s7;
	s7 =	simm.s32 @!p0 $0x108  }
0x21: {  	s3 =	sadd.s32 s3, s9;
	s6 =	sadd.s32 @!p0 $0x88, s6;
	s7 =	simm.s32 @p2 $0x1082  }
0x22: {  	[simem:s7], [sflag:s8] =	dma.local @!p0 [hbm:s6], $0xF7A  }
0x23: {  	s9 =	sor.u32 $0xD0000000, s2;
	s6 =	simm.s32 $0x108;
	_ =	swait.ge @!p0 [sflag:s8], $0x0  }
0x24: {  	s3 =	sadd.s32 $0x88, s3;
	s6 =	simm.s32 @!p1 $0x1082;
	[sflag:s4] =	ssyncset.s32 $0xFFFFF086  }
0x25: {  	[simem:s6], [sflag:s4] =	dma.local [hbm:s3], $0xF7A  }
0x26: {  	[smem:$0x3F9F] =	sst s1;
	(tag) =	ssettag s2;
	_ =	strace s9  }
0x27: {  	s1 =	sld [smem:$0x3FAF]  }
0x28: {  	s2 =	sld [smem:$0x3FB0]  }
0x29: {  	s4 =	sld [smem:$0x3FB2]  }
0x2a: {  	p0 =	seq.s32 s5, $0x0;
	s5 =	sld [smem:$0x3FB3]  }
0x2b: {  	s6 =	sld [smem:$0x3FB4]  }
0x2c: {  	s7 =	sld [smem:$0x3FB5]  }
0x2d: {  	s3 =	simm.s32 $0x108;
	s8 =	sld [smem:$0x3FB6]  }
0x2e: {  	s3 =	simm.s32 @!p0 $0x1082;
	s9 =	sld [smem:$0x3FB7]  }
0x2f: {  	lr =	sadd.s32 s0, s3;
	s0 =	sld [smem:$0x3FAE]  }
0x30: {  	s3 =	sld [smem:$0x3FB1]  }
0x31: {  	[smem:$0x3FBA] =	sst s10  }
0x32: {  	s10 =	sld [smem:$0x3FB8];
	_ =	sdelay $0x3  }
0x33: {  	p0 =	seq.s32 s10, $0x1;
	s10 =	sld [smem:$0x3FBA];
	_ =	sdelay $0x3  }
0x34: {  	[smem:$0x3FBA] =	sst s10  }
0x35: {  	s10 =	sld [smem:$0x3FB9];
	_ =	sdelay $0x3  }
0x36: {  	p1 =	seq.s32 s10, $0x1;
	s10 =	sld [smem:$0x3FBA];
	_ =	sdelay $0x3  }
0x37: {  	[smem:$0x3FBA] =	sst s10  }
0x38: {  	s10 =	sld [smem:$0x3FBB]  }
0x39: {  	_ = 	snop;
	(pc) =	sbr.ind lr, $3  }
0x3a: {  	_ = 	snop  }
0x3b: {  	_ = 	snop  }
0x3c: {  	p2 =	seq.s32 s10, $0x1;
	s10 =	sld [smem:$0x3FBA]  }
0x3d: {  	_ =	shalt  }
0x3e: {  	_ =	shalt  }
0x3f: {  	_ =	shalt  }
0x40: {  	_ =	shalt  }
0x41: {  	_ =	shalt  }
0x42: {  	_ =	shalt  }
0x43: {  	_ =	shalt  }
0x44: {  	_ =	shalt  }
0x45: {  	_ =	shalt  }
0x46: {  	_ =	shalt  }
0x47: {  	_ =	shalt  }
0x48: {  	_ =	shalt  }
0x49: {  	_ =	shalt  }
0x4a: {  	_ =	shalt  }
0x4b: {  	_ =	shalt  }
0x4c: {  	_ =	shalt  }
0x4d: {  	_ =	shalt  }
0x4e: {  	_ =	shalt  }
0x4f: {  	_ =	shalt  }
0x50: {  	_ =	shalt  }
0x51: {  	_ =	shalt  }
0x52: {  	_ =	shalt  }
0x53: {  	_ =	shalt  }
0x54: {  	_ =	shalt  }
0x55: {  	_ =	shalt  }
0x56: {  	_ =	shalt  }
0x57: {  	_ =	shalt  }
0x58: {  	_ =	shalt  }
0x59: {  	_ =	shalt  }
0x5a: {  	_ =	shalt  }
0x5b: {  	_ =	shalt  }
0x5c: {  	_ =	shalt  }
0x5d: {  	_ =	shalt  }
0x5e: {  	_ =	shalt  }
0x5f: {  	_ =	shalt  }
0x60: {  	_ =	shalt  }
0x61: {  	_ =	shalt  }
0x62: {  	_ =	shalt  }
0x63: {  	_ =	shalt  }
0x64: {  	_ =	shalt  }
0x65: {  	_ =	shalt  }
0x66: {  	_ =	shalt  }
0x67: {  	_ =	shalt  }
0x68: {  	_ =	shalt  }
0x69: {  	_ =	shalt  }
0x6a: {  	_ =	shalt  }
0x6b: {  	_ =	shalt  }
0x6c: {  	_ =	shalt  }
0x6d: {  	_ =	shalt  }
0x6e: {  	_ =	shalt  }
0x6f: {  	_ =	shalt  }
0x70: {  	_ =	shalt  }
0x71: {  	_ =	shalt  }
0x72: {  	_ =	shalt  }
0x73: {  	_ =	shalt  }
0x74: {  	_ =	shalt  }
0x75: {  	_ =	shalt  }
0x76: {  	_ =	shalt  }
0x77: {  	_ =	shalt  }
0x78: {  	_ =	shalt  }
0x79: {  	_ =	shalt  }
0x7a: {  	_ =	shalt  }
0x7b: {  	_ =	shalt  }
0x7c: {  	_ =	shalt  }
0x7d: {  	_ =	shalt  }
0x7e: {  	_ =	shalt  }
0x7f: {  	_ =	shalt  }
0x80: {  	_ =	shalt  }
0x81: {  	_ =	shalt  }
0x82: {  	_ =	shalt  }
0x83: {  	_ =	shalt  }
0x84: {  	_ =	shalt  }
0x85: {  	_ =	shalt  }
0x86: {  	_ =	shalt  }
0x87: {  	_ =	shalt  }
.Lfunc_end0:
.L_simem_size_0:
called_computation.1_lowered:
.L_overlay_start_0:
0x88: {  	s2 =	sld [smem:$0x3FD9]  }
0x89: {  	s3 =	sld [smem:$0x3FFE];
	_ =	sdelay $0x1  }
0x8a: {  	s1 =	srdreg.scid  }
0x8b: {  	s0 =	sand.u32 $0x1, s1  }
0x8c: {  	s17 =	sshll.u32 s0, $0xA;
	s2 =	sadd.s32 s3, s2  }
0x8d: {  	s2 =	sadd.s32 s2, s17  }
0x8e: {  	[smem:$0x3FC6] =	sst s2  }
0x8f: {  	_ = 	snop  }
0x90: {  	s2 =	sld [smem:$0x3FD0];
	(tm) =	ssettm $0x1  }
0x91: {  	s18 =	sld [smem:$0x3FFB];
	_ =	sdelay $0x3  }
0x92: {  	_ =	strace s18  }
0x93: {  	s3 =	sld [smem:$0x3FFC];
	_ =	sdelay $0x3  }
0x94: {  	_ =	strace s3  }
0x95: {  	s3 =	sld [smem:$0x3FFD];
	_ =	sdelay $0x3  }
0x96: {  	_ =	strace s3  }
0x97: {  	_ =	strace $0x8FFFFFFF  }
0x98: {  	s19 =	sld [smem:$0x3FDB];
	_ =	sdelay $0x1  }
0x99: {  	s4 =	simm.s32 $_scs_section_size  }
0x9a: {  	s5 =	simm.s32 $_size__tile_overlayer_lowered;
	s6 =	simm.s32 $_tile_overlayer_lowered  }
0x9b: {  	s22 =	simm.s32 $0x1BFF;
	s21 =	sshll.u32 s6, $0x1;
	s3 =	sadd.s32 s4, s19  }
0x9c: {  	s7 =	simm.s32 $0x0;
	s20 =	sshll.u32 s5, $0x1;
	s5 =	sadd.s32 s21, s3  }
0x9d: {  	[timem:s7], [sflag:s22] =	dma.local [hbm:s5], s20  }
0x9e: {  	_ =	swait.ge [sflag:s22], s20  }
0x9f: {  	s4 =	ssub.s32 $0x0, s20;
	[sflag:s22] =	ssyncset.done $0x0  }
0xa0: {  	[sflag:s22] =	ssyncadd.s32 s4;
	_ =	sdelay $0x1  }
0xa1: {  	s23 =	simm.s32 $0x1B8B  }
0xa2: {  	_ =	swait.ge [sflag:s23], $0x1  }
0xa3: {  	[sflag:s23] =	ssyncset.done $0x0  }
0xa4: {  	s25 =	simm.s32 $0x1B8E;
	s24 =	sld [smem:$0x3FFE];
	[sflag:s23] =	ssyncadd.s32 $0xFFFFFFFF  }
0xa5: {  	s26 =	simm.s32 $execute0_lowered;
	[smem:$0x3FD2] =	sst s25  }
0xa6: {  	s5 =	sshll.u32 s26, $0x1;
	_ =	strace $0x80000046;
	[dreg:$0x1] =	wrdreg $0xFFFFFFFF  }
0xa7: {  	s28 =	simm.s32 $_size_execute0_lowered;
	s3 =	sadd.s32 s3, s5;
	[dreg:$0x0] =	wrdreg $0x0  }
0xa8: {  	s5 =	sshll.u32 s28, $0x1;
	[dreg:$0x2] =	wrdreg s3  }
0xa9: {  	[dreg:$0x3] =	wrdreg s5  }
0xaa: {  	[dreg:$0x4] =	wrdreg $0xC0  }
0xab: {  	_ =	task [dreg:s7], $0x5FFFF  }
0xac: {  	[dreg:$0x1] =	wrdreg $0xFFFFFFFF  }
0xad: {  	[dreg:$0x0] =	wrdreg $0x60  }
0xae: {  	[dreg:$0x2] =	wrdreg s24  }
0xaf: {  	[dreg:$0x3] =	wrdreg s2  }
0xb0: {  	[dreg:$0x4] =	wrdreg $0x9  }
0xb1: {  	_ =	task.clear_ibuf [dreg:s7], $0x5FFFF;
	_ =	strace $0x90000046  }
0xb2: {  	s29 =	simm.s32 $0x9;
	_ =	strace $0x80000048  }
0xb3: {  	_ =	swait.ge [sflag:s29], $0x1  }
0xb4: {  	[sflag:s29] =	ssyncadd.s32 $0xFFFFFFFF  }
0xb5: {  	_ =	strace $0x90000048  }
0xb6: {  	_ =	sfence  }
0xb7: {  	s30 =	sld [smem:$0x0];
	_ =	sdelay $0x2  }
0xb8: {  	s31 =	sshll.u32 s1, $0xD;
	s1 =	sshrl.u32 s1, $0x2  }
0xb9: {  	s3 =	sand.u32 $0x4000, s31;
	s1 =	sadd.s32 s1, s30  }
0xba: {  	s0 =	sor.u32 s3, s0;
	s1 =	sshll.u32 s1, $0x11  }
0xbb: {  	s0 =	sor.u32 s1, s0  }
0xbc: {  	s0 =	sadd.s32 $0x8F2B, s0  }
0xbd: {  	[sflag:s0] =	ssyncadd.remote.s32 $0x1  }
0xbe: {  	_ =	sfence.sel $0xFFFF  }
0xbf: {  	[dreg:$0x0] =	wrdreg $0xFFFFFFFF;
	(pc) =	sbr.abs _section_cstart, $3  }
0xc0: {  	[dreg:$0x1] =	wrdreg $0xFFFFFFFF  }
0xc1: {  	_ =	task.clear_ibuf [dreg:s7], $0x2FFFF;
	_ =	strace $0x9FFFFFFF  }
0xc2: {  	(tm) =	ssettm $0x7FFFFFFF  }
0xc3: {  	_ =	shalt  }
tec
execute0_lowered:
.L_overlay_start_1:
0x0: {  	(tag) =	ssettag $0x1  }
0x1: {  	s0 =	srdreg.scid  }
0x2: {  	s10 =	stileid.u32;
	s4 =	rddreg [dreg:$0x0]  }
0x3: {  	s2 =	rddreg [dreg:$0x1];
	s3 =	simm.s32 $0x0;
	s21 =	simm.s32 $0x1400  }
0x4: {  	s19 =	simm.s32 $0x2400;
	s28 =	simm.s32 $0x4C00;
	s29 =	simm.s32 $0x5400  }
0x5: {  	s31 =	simm.s32 $0x5C00;
	s20 =	simm.s32 $0x8C00;
	s13 =	simm.s32 $0x9400  }
0x6: {  	s30 =	simm.s32 $0x9C00;
	s11 =	simm.s32 $0x1;
	s12 =	simm.s32 $0x4  }
0x7: {  	s14 =	simm.s32 $0x2;
	s15 =	simm.s32 $0x5;
	s16 =	simm.s32 $0x3  }
0x8: {  	s0 =	sand.u32 $0x1, s0;
	s1 =	sshll.u32 s10, $0x1;
	s10 =	smul.u32 $0xC0000, s10  }
0x9: {  	s1 =	sor.u32 s0, s1;
	s6 =	ssub.s32 $0x2, s0;
	s0 =	smul.u32 $0x60000, s0  }
0xa: {  	s17 =	simm.s32 $0x6;
	[smem:$0x7FF] =	sst s3;
	s5 =	smul.u32 $0xC00, s1  }
0xb: {  	s18 =	simm.s32 $0x0;
	_ =	strace $0x80000047;
	s22 =	smul.u32 $0x300000, s1  }
0xc: {  	[dreg:$0x9] =	wrdreg s18;
	s7 =	sshrl.u32 s6, $0x1;
	s1 =	smul.u32 $0x60000, s1  }
0xd: {  	s8 =	ssub.s32 s6, s7;
	s6 =	sadd.s32 $0x200, s2;
	s7 =	sadd.s32 $0x300, s2  }
0xe: {  	s5 =	sshrl.u32 s5, $0x3;
	s9 =	sshrl.u32 s22, $0x3;
	s26 =	smax.u32 s8, $0x1  }
0xf: {  	s22 =	simm.s32 $0x1C00;
	s8 =	simm.s32 $0x7400;
	s5 =	sadd.s32 s5, s4  }
0x10: {  	s4 =	sadd.s32 $0x3A00, s4;
	[dreg:$0x8] =	wrdreg s26;
	s26 =	simm.s32 $0x4400  }
0x11: {  	s5 =	sadd.s32 $0xA00, s5;
	s9 =	sadd.s32 s4, s9;
	s1 =	sadd.s32 s4, s1  }
0x12: {  	s24 =	sadd.s32 s10, s4;
	s4 =	simm.s32 $0x6C00;
	[dreg:$0x4] =	wrdreg s5  }
0x13: {  	s10 =	simm.s32 $0x8400;
	[dreg:$0x5] =	wrdreg s1;
	s23 =	sadd.s32 $0x5E000, s9  }
0x14: {  	s5 =	sadd.s32 $0x100, s2;
	s25 =	sadd.s32 $0x5F000, s9;
	[dreg:$0x6] =	wrdreg s23  }
0x15: {  	v2 =	vlaneseq.u32;
	s0 =	sadd.s32 s0, s24;
	s24 =	simm.s32 $0x3400;
	[dreg:$0x7] =	wrdreg s25  }
0x16: {  	vm0 =	vmmov $0xffff;
	v1 =	vshrl.u32 v2, $0x3;
	s9 =	simm.s32 $0x7C00;
	s1 =	simm.s32 $0x10C00;
	[dreg:$0x3] =	wrdreg s0  }
0x17: {  	v0 =	vand.u32 $0x7, v2;
	v2 =	vor.u32 $0x8, v2;
	v1 =	vmul.u32 $0x8, v1;
	s23 =	simm.s32 $0x2C00;
	s25 =	simm.s32 $0x3C00;
	s0 =	simm.s32 $0x6400  }
.LBB2_1:
0x18: {  	s18 =	rddreg [dreg:$0x4]  }
0x19: {  	[tilespmem:s3], [sflag:$0x7] =	stream.linear.gather [hbm4b:s18+s3], $0xC00, $0x38;
	[tilespmem:$0x18C00] =	vst v63  }
0x1a: {  	s18 =	simm.s32 $0x7  }
0x1b: {  	_ =	swait.ge [sflag:s18], $0xC00  }
0x1c: {  	[sflag:s18] =	ssyncset.done $0x0  }
0x1d: {  	[sflag:s18] =	ssyncadd.s32 $0xFFFFF400  }
0x1e: {  	v3 =	vld [tilespmem:$0x0];
	_ =	sdelay $0x4  }
0x1f: {  	v4 =	vshll.u32 v3, $0x3  }
0x20: {  	v3 =	vand.u32 $0x7, v3;
	v4 =	vand.u32 $0xFFFFFFC0, v4  }
0x21: {  	v3 =	vor.u32 v3, v4  }
0x22: {  	v4 =	vperm.xlane v3, v0;
	_ =	sdelay $0x1  }
0x23: {  	v4 =	vadd.s32 v1, v4;
	_ =	sdelay $0x3  }
0x24: {  	s18 =	simm.s32 $0xC00  }
0x25: {  	[tilespmem:s18], [sflag:$0x1] =	stream.indirect_vreg.gather [hbm4b:s2+s3], $0x80, v4, vm0, $0xb8;
	[tilespmem:$0x18C00] =	vst v63  }
0x26: {  	v3 =	vperm.xlane v3, v2  }
0x27: {  	[tilespmem:s21], [sflag:$0x1] =	stream.indirect_vreg.gather [hbm4b:s5+s3], $0x80, v4, vm0, $0xb8;
	[tilespmem:$0x18C00] =	vst v63  }
0x28: {  	v3 =	vadd.s32 v1, v3  }
0x29: {  	[tilespmem:s22], [sflag:$0x1] =	stream.indirect_vreg.gather [hbm4b:s6+s3], $0x80, v4, vm0, $0xb8;
	[tilespmem:$0x18C00] =	vst v63  }
0x2a: {  	_ = 	snop  }
0x2b: {  	[tilespmem:s19], [sflag:$0x1] =	stream.indirect_vreg.gather [hbm4b:s7+s3], $0x80, v4, vm0, $0xb8;
	[tilespmem:$0x18C00] =	vst v63  }
0x2c: {  	_ = 	snop  }
0x2d: {  	[tilespmem:s23], [sflag:$0x1] =	stream.indirect_vreg.gather [hbm4b:s2+s3], $0x80, v3, vm0, $0xb8;
	[tilespmem:$0x18C00] =	vst v63  }
0x2e: {  	_ = 	snop  }
0x2f: {  	[tilespmem:s24], [sflag:$0x1] =	stream.indirect_vreg.gather [hbm4b:s5+s3], $0x80, v3, vm0, $0xb8;
	[tilespmem:$0x18C00] =	vst v63  }
0x30: {  	_ = 	snop  }
0x31: {  	[tilespmem:s25], [sflag:$0x1] =	stream.indirect_vreg.gather [hbm4b:s6+s3], $0x80, v3, vm0, $0xb8;
	[tilespmem:$0x18C00] =	vst v63  }
0x32: {  	_ = 	snop  }
0x33: {  	[tilespmem:s26], [sflag:$0x1] =	stream.indirect_vreg.gather [hbm4b:s7+s3], $0x80, v3, vm0, $0xb8;
	[tilespmem:$0x18C00] =	vst v63  }
0x34: {  	v3 =	vld [tilespmem:$0x10];
	_ =	sdelay $0x4  }
0x35: {  	v59 =	vshll.u32 v3, $0x3  }
0x36: {  	v3 =	vand.u32 $0x7, v3;
	v4 =	vand.u32 $0xFFFFFFC0, v59  }
0x37: {  	v3 =	vor.u32 v3, v4  }
0x38: {  	v4 =	vperm.xlane v3, v0;
	_ =	sdelay $0x1  }
0x39: {  	v4 =	vadd.s32 v1, v4;
	_ =	sdelay $0x4  }
0x3a: {  	[tilespmem:s28], [sflag:$0x1] =	stream.indirect_vreg.gather [hbm4b:s2+s3], $0x80, v4, vm0, $0xb8;
	[tilespmem:$0x18C00] =	vst v63  }
0x3b: {  	v3 =	vperm.xlane v3, v2  }
0x3c: {  	[tilespmem:s29], [sflag:$0x1] =	stream.indirect_vreg.gather [hbm4b:s5+s3], $0x80, v4, vm0, $0xb8;
	[tilespmem:$0x18C00] =	vst v63  }
0x3d: {  	v3 =	vadd.s32 v1, v3  }
0x3e: {  	[tilespmem:s31], [sflag:$0x1] =	stream.indirect_vreg.gather [hbm4b:s6+s3], $0x80, v4, vm0, $0xb8;
	[tilespmem:$0x18C00] =	vst v63  }
0x3f: {  	_ = 	snop  }
0x40: {  	[tilespmem:s0], [sflag:$0x1] =	stream.indirect_vreg.gather [hbm4b:s7+s3], $0x80, v4, vm0, $0xb8;
	[tilespmem:$0x18C00] =	vst v63  }
0x41: {  	_ = 	snop  }
0x42: {  	[tilespmem:s4], [sflag:$0x1] =	stream.indirect_vreg.gather [hbm4b:s2+s3], $0x80, v3, vm0, $0xb8;
	[tilespmem:$0x18C00] =	vst v63  }
0x43: {  	_ = 	snop  }
0x44: {  	[tilespmem:s8], [sflag:$0x1] =	stream.indirect_vreg.gather [hbm4b:s5+s3], $0x80, v3, vm0, $0xb8;
	[tilespmem:$0x18C00] =	vst v63  }
0x45: {  	_ = 	snop  }
0x46: {  	[tilespmem:s9], [sflag:$0x1] =	stream.indirect_vreg.gather [hbm4b:s6+s3], $0x80, v3, vm0, $0xb8;
	[tilespmem:$0x18C00] =	vst v63  }
0x47: {  	_ = 	snop  }
0x48: {  	[tilespmem:s10], [sflag:$0x1] =	stream.indirect_vreg.gather [hbm4b:s7+s3], $0x80, v3, vm0, $0xb8;
	[tilespmem:$0x18C00] =	vst v63  }
0x49: {  	v3 =	vld [tilespmem:$0x20];
	_ =	sdelay $0x4  }
0x4a: {  	v60 =	vshll.u32 v3, $0x3  }
0x4b: {  	v3 =	vand.u32 $0x7, v3;
	v4 =	vand.u32 $0xFFFFFFC0, v60  }
0x4c: {  	v3 =	vor.u32 v3, v4  }
0x4d: {  	v4 =	vperm.xlane v3, v0;
	_ =	sdelay $0x1  }
0x4e: {  	v4 =	vadd.s32 v1, v4;
	_ =	sdelay $0x4  }
0x4f: {  	[tilespmem:s20], [sflag:$0x2] =	stream.indirect_vreg.gather [hbm4b:s2+s3], $0x80, v4, vm0, $0xb8;
	[tilespmem:$0x18C00] =	vst v63  }
0x50: {  	v3 =	vperm.xlane v3, v2  }
0x51: {  	[tilespmem:s13], [sflag:$0x2] =	stream.indirect_vreg.gather [hbm4b:s5+s3], $0x80, v4, vm0, $0xb8;
	[tilespmem:$0x18C00] =	vst v63  }
0x52: {  	v3 =	vadd.s32 v1, v3  }
0x53: {  	[tilespmem:s30], [sflag:$0x2] =	stream.indirect_vreg.gather [hbm4b:s6+s3], $0x80, v4, vm0, $0xb8;
	[tilespmem:$0x18C00] =	vst v63  }
0x54: {  	s20 =	simm.s32 $0xA400  }
0x55: {  	[tilespmem:s20], [sflag:$0x2] =	stream.indirect_vreg.gather [hbm4b:s7+s3], $0x80, v4, vm0, $0xb8;
	[tilespmem:$0x18C00] =	vst v63  }
0x56: {  	s23 =	simm.s32 $0xAC00  }
0x57: {  	[tilespmem:s23], [sflag:$0x2] =	stream.indirect_vreg.gather [hbm4b:s2+s3], $0x80, v3, vm0, $0xb8;
	[tilespmem:$0x18C00] =	vst v63  }
0x58: {  	s24 =	simm.s32 $0xB400  }
0x59: {  	[tilespmem:s24], [sflag:$0x2] =	stream.indirect_vreg.gather [hbm4b:s5+s3], $0x80, v3, vm0, $0xb8;
	[tilespmem:$0x18C00] =	vst v63  }
0x5a: {  	s25 =	simm.s32 $0xBC00  }
0x5b: {  	[tilespmem:s25], [sflag:$0x2] =	stream.indirect_vreg.gather [hbm4b:s6+s3], $0x80, v3, vm0, $0xb8;
	[tilespmem:$0x18C00] =	vst v63  }
0x5c: {  	s26 =	simm.s32 $0xC400  }
0x5d: {  	[tilespmem:s26], [sflag:$0x2] =	stream.indirect_vreg.gather [hbm4b:s7+s3], $0x80, v3, vm0, $0xb8;
	[tilespmem:$0x18C00] =	vst v63  }
0x5e: {  	v3 =	vld [tilespmem:$0x30];
	_ =	sdelay $0x4  }
0x5f: {  	v61 =	vshll.u32 v3, $0x3  }
0x60: {  	v3 =	vand.u32 $0x7, v3;
	v4 =	vand.u32 $0xFFFFFFC0, v61  }
0x61: {  	v3 =	vor.u32 v3, v4  }
0x62: {  	v4 =	vperm.xlane v3, v0;
	_ =	sdelay $0x1  }
0x63: {  	v4 =	vadd.s32 v1, v4;
	_ =	sdelay $0x3  }
0x64: {  	s4 =	simm.s32 $0xCC00  }
0x65: {  	[tilespmem:s4], [sflag:$0x2] =	stream.indirect_vreg.gather [hbm4b:s2+s3], $0x80, v4, vm0, $0xb8;
	[tilespmem:$0x18C00] =	vst v63  }
0x66: {  	s8 =	simm.s32 $0xD400;
	v3 =	vperm.xlane v3, v2  }
0x67: {  	[tilespmem:s8], [sflag:$0x2] =	stream.indirect_vreg.gather [hbm4b:s5+s3], $0x80, v4, vm0, $0xb8;
	[tilespmem:$0x18C00] =	vst v63  }
0x68: {  	s9 =	simm.s32 $0xDC00;
	v3 =	vadd.s32 v1, v3  }
0x69: {  	[tilespmem:s9], [sflag:$0x2] =	stream.indirect_vreg.gather [hbm4b:s6+s3], $0x80, v4, vm0, $0xb8;
	[tilespmem:$0x18C00] =	vst v63  }
0x6a: {  	s10 =	simm.s32 $0xE400  }
0x6b: {  	[tilespmem:s10], [sflag:$0x2] =	stream.indirect_vreg.gather [hbm4b:s7+s3], $0x80, v4, vm0, $0xb8;
	[tilespmem:$0x18C00] =	vst v63  }
0x6c: {  	s13 =	simm.s32 $0xEC00  }
0x6d: {  	[tilespmem:s13], [sflag:$0x2] =	stream.indirect_vreg.gather [hbm4b:s2+s3], $0x80, v3, vm0, $0xb8;
	[tilespmem:$0x18C00] =	vst v63  }
0x6e: {  	s18 =	simm.s32 $0xF400  }
0x6f: {  	[tilespmem:s18], [sflag:$0x2] =	stream.indirect_vreg.gather [hbm4b:s5+s3], $0x80, v3, vm0, $0xb8;
	[tilespmem:$0x18C00] =	vst v63  }
0x70: {  	s19 =	simm.s32 $0xFC00  }
0x71: {  	[tilespmem:s19], [sflag:$0x2] =	stream.indirect_vreg.gather [hbm4b:s6+s3], $0x80, v3, vm0, $0xb8;
	[tilespmem:$0x18C00] =	vst v63  }
0x72: {  	s20 =	simm.s32 $0x10400  }
0x73: {  	[tilespmem:s20], [sflag:$0x2] =	stream.indirect_vreg.gather [hbm4b:s7+s3], $0x80, v3, vm0, $0xb8;
	[tilespmem:$0x18C00] =	vst v63  }
0x74: {  	v3 =	vld [tilespmem:$0x40];
	_ =	sdelay $0x4  }
0x75: {  	v62 =	vshll.u32 v3, $0x3  }
0x76: {  	v3 =	vand.u32 $0x7, v3;
	v4 =	vand.u32 $0xFFFFFFC0, v62  }
0x77: {  	v3 =	vor.u32 v3, v4  }
0x78: {  	v4 =	vperm.xlane v3, v0;
	_ =	sdelay $0x1  }
0x79: {  	v4 =	vadd.s32 v1, v4;
	_ =	sdelay $0x4  }
0x7a: {  	[tilespmem:s1], [sflag:$0x3] =	stream.indirect_vreg.gather [hbm4b:s2+s3], $0x80, v4, vm0, $0xb8;
	[tilespmem:$0x18C00] =	vst v63  }
0x7b: {  	s23 =	simm.s32 $0x11400;
	v3 =	vperm.xlane v3, v2  }
0x7c: {  	[tilespmem:s23], [sflag:$0x3] =	stream.indirect_vreg.gather [hbm4b:s5+s3], $0x80, v4, vm0, $0xb8;
	[tilespmem:$0x18C00] =	vst v63  }
0x7d: {  	s24 =	simm.s32 $0x11C00;
	v3 =	vadd.s32 v1, v3  }
0x7e: {  	[tilespmem:s24], [sflag:$0x3] =	stream.indirect_vreg.gather [hbm4b:s6+s3], $0x80, v4, vm0, $0xb8;
	[tilespmem:$0x18C00] =	vst v63  }
0x7f: {  	s25 =	simm.s32 $0x12400  }
0x80: {  	[tilespmem:s25], [sflag:$0x3] =	stream.indirect_vreg.gather [hbm4b:s7+s3], $0x80, v4, vm0, $0xb8;
	[tilespmem:$0x18C00] =	vst v63  }
0x81: {  	s26 =	simm.s32 $0x12C00  }
0x82: {  	[tilespmem:s26], [sflag:$0x3] =	stream.indirect_vreg.gather [hbm4b:s2+s3], $0x80, v3, vm0, $0xb8;
	[tilespmem:$0x18C00] =	vst v63  }
0x83: {  	s1 =	simm.s32 $0x13400  }
0x84: {  	[tilespmem:s1], [sflag:$0x3] =	stream.indirect_vreg.gather [hbm4b:s5+s3], $0x80, v3, vm0, $0xb8;
	[tilespmem:$0x18C00] =	vst v63  }
0x85: {  	s4 =	simm.s32 $0x13C00  }
0x86: {  	[tilespmem:s4], [sflag:$0x3] =	stream.indirect_vreg.gather [hbm4b:s6+s3], $0x80, v3, vm0, $0xb8;
	[tilespmem:$0x18C00] =	vst v63  }
0x87: {  	s8 =	simm.s32 $0x14400  }
0x88: {  	[tilespmem:s8], [sflag:$0x3] =	stream.indirect_vreg.gather [hbm4b:s7+s3], $0x80, v3, vm0, $0xb8;
	[tilespmem:$0x18C00] =	vst v63  }
0x89: {  	v3 =	vld [tilespmem:$0x50];
	_ =	sdelay $0x4  }
0x8a: {  	v63 =	vshll.u32 v3, $0x3  }
0x8b: {  	v3 =	vand.u32 $0x7, v3;
	v4 =	vand.u32 $0xFFFFFFC0, v63  }
0x8c: {  	v3 =	vor.u32 v3, v4  }
0x8d: {  	v4 =	vperm.xlane v3, v0;
	_ =	sdelay $0x1  }
0x8e: {  	v4 =	vadd.s32 v1, v4;
	_ =	sdelay $0x3  }
0x8f: {  	s9 =	simm.s32 $0x14C00  }
0x90: {  	[tilespmem:s9], [sflag:$0x3] =	stream.indirect_vreg.gather [hbm4b:s2+s3], $0x80, v4, vm0, $0xb8;
	[tilespmem:$0x18C00] =	vst v63  }
0x91: {  	s10 =	simm.s32 $0x15400;
	v3 =	vperm.xlane v3, v2  }
0x92: {  	[tilespmem:s10], [sflag:$0x3] =	stream.indirect_vreg.gather [hbm4b:s5+s3], $0x80, v4, vm0, $0xb8;
	[tilespmem:$0x18C00] =	vst v63  }
0x93: {  	s13 =	simm.s32 $0x15C00;
	v3 =	vadd.s32 v1, v3  }
0x94: {  	[tilespmem:s13], [sflag:$0x3] =	stream.indirect_vreg.gather [hbm4b:s6+s3], $0x80, v4, vm0, $0xb8;
	[tilespmem:$0x18C00] =	vst v63  }
0x95: {  	s18 =	simm.s32 $0x16400  }
0x96: {  	[tilespmem:s18], [sflag:$0x3] =	stream.indirect_vreg.gather [hbm4b:s7+s3], $0x80, v4, vm0, $0xb8;
	[tilespmem:$0x18C00] =	vst v63  }
0x97: {  	s28 =	simm.s32 $0x4400;
	s29 =	simm.s32 $0x4C00;
	s19 =	simm.s32 $0x16C00  }
0x98: {  	[tilespmem:s19], [sflag:$0x3] =	stream.indirect_vreg.gather [hbm4b:s2+s3], $0x80, v3, vm0, $0xb8;
	[tilespmem:$0x18C00] =	vst v63  }
0x99: {  	s31 =	simm.s32 $0x5400;
	s0 =	simm.s32 $0x6400;
	s20 =	simm.s32 $0x17400  }
0x9a: {  	[tilespmem:s20], [sflag:$0x3] =	stream.indirect_vreg.gather [hbm4b:s5+s3], $0x80, v3, vm0, $0xb8;
	[tilespmem:$0x18C00] =	vst v63  }
0x9b: {  	s30 =	simm.s32 $0xC00;
	s23 =	simm.s32 $0x17C00;
	s24 =	simm.s32 $0x18400  }
0x9c: {  	[tilespmem:s23], [sflag:$0x3] =	stream.indirect_vreg.gather [hbm4b:s6+s3], $0x80, v3, vm0, $0xb8;
	[tilespmem:$0x18C00] =	vst v63  }
0x9d: {  	s26 =	simm.s32 $0xC00;
	s4 =	simm.s32 $0x6C00;
	s8 =	simm.s32 $0x7400  }
0x9e: {  	[tilespmem:s24], [sflag:$0x3] =	stream.indirect_vreg.gather [hbm4b:s7+s3], $0x80, v3, vm0, $0xb8;
	[tilespmem:$0x18C00] =	vst v63  }
0x9f: {  	s9 =	simm.s32 $0x7C00;
	s10 =	simm.s32 $0x8400;
	_ =	swait.ge [sflag:s11], $0x8000  }
0xa0: {  	s13 =	simm.s32 $0x9400;
	s18 =	simm.s32 $0xB0;
	[sflag:s11] =	ssyncset.done $0x0  }
0xa1: {  	s19 =	simm.s32 $0x0;
	s25 =	rddreg [dreg:$0x5];
	[sflag:s11] =	ssyncadd.s32 $0xFFFF8000  }
0xa2: {  	[hbm4b:s25+s3] =	stream.linear.scatter [tilespmem:s26], [sflag:$0x4], $0x8000, $0x38;
	[tilespmem:$0x18C00] =	vst v63  }
0xa3: {  	s23 =	simm.s32 $0x2400;
	s24 =	simm.s32 $0x9C00;
	s25 =	simm.s32 $0x3400  }
.LBB2_2:
0xa4: {  	_ =	swait.ge [sflag:s12], $0x8000  }
0xa5: {  	[sflag:s12] =	ssyncset.done $0x0  }
0xa6: {  	[sflag:s12] =	ssyncadd.s32 $0xFFFF8000  }
0xa7: {  	v3 =	vld [tilespmem:s18+$0xFFFFFFB0];
	_ =	sdelay $0x4  }
0xa8: {  	v4 =	vshll.u32 v3, $0x3  }
0xa9: {  	v3 =	vand.u32 $0x7, v3;
	v4 =	vand.u32 $0xFFFFFFC0, v4  }
0xaa: {  	v3 =	vor.u32 v3, v4  }
0xab: {  	v4 =	vperm.xlane v3, v0;
	_ =	sdelay $0x1  }
0xac: {  	v4 =	vadd.s32 v1, v4;
	_ =	sdelay $0x4  }
0xad: {  	[tilespmem:s30], [sflag:$0x1] =	stream.indirect_vreg.gather [hbm4b:s2+s3], $0x80, v4, vm0, $0xb8;
	[tilespmem:$0x18C00] =	vst v63  }
0xae: {  	v3 =	vperm.xlane v3, v2  }
0xaf: {  	[tilespmem:s21], [sflag:$0x1] =	stream.indirect_vreg.gather [hbm4b:s5+s3], $0x80, v4, vm0, $0xb8;
	[tilespmem:$0x18C00] =	vst v63  }
0xb0: {  	v3 =	vadd.s32 v1, v3  }
0xb1: {  	[tilespmem:s22], [sflag:$0x1] =	stream.indirect_vreg.gather [hbm4b:s6+s3], $0x80, v4, vm0, $0xb8;
	[tilespmem:$0x18C00] =	vst v63  }
0xb2: {  	_ = 	snop  }
0xb3: {  	[tilespmem:s23], [sflag:$0x1] =	stream.indirect_vreg.gather [hbm4b:s7+s3], $0x80, v4, vm0, $0xb8;
	[tilespmem:$0x18C00] =	vst v63  }
0xb4: {  	s1 =	simm.s32 $0x2C00  }
0xb5: {  	[tilespmem:s1], [sflag:$0x1] =	stream.indirect_vreg.gather [hbm4b:s2+s3], $0x80, v3, vm0, $0xb8;
	[tilespmem:$0x18C00] =	vst v63  }
0xb6: {  	_ = 	snop  }
0xb7: {  	[tilespmem:s25], [sflag:$0x1] =	stream.indirect_vreg.gather [hbm4b:s5+s3], $0x80, v3, vm0, $0xb8;
	[tilespmem:$0x18C00] =	vst v63  }
0xb8: {  	s22 =	simm.s32 $0x3C00  }
0xb9: {  	[tilespmem:s22], [sflag:$0x1] =	stream.indirect_vreg.gather [hbm4b:s6+s3], $0x80, v3, vm0, $0xb8;
	[tilespmem:$0x18C00] =	vst v63  }
0xba: {  	_ = 	snop  }
0xbb: {  	[tilespmem:s28], [sflag:$0x1] =	stream.indirect_vreg.gather [hbm4b:s7+s3], $0x80, v3, vm0, $0xb8;
	[tilespmem:$0x18C00] =	vst v63  }
0xbc: {  	v3 =	vld [tilespmem:s18+$0xFFFFFFC0];
	_ =	sdelay $0x4  }
0xbd: {  	v59 =	vshll.u32 v3, $0x3  }
0xbe: {  	v3 =	vand.u32 $0x7, v3;
	v4 =	vand.u32 $0xFFFFFFC0, v59  }
0xbf: {  	v3 =	vor.u32 v3, v4  }
0xc0: {  	v4 =	vperm.xlane v3, v0;
	_ =	sdelay $0x1  }
0xc1: {  	v4 =	vadd.s32 v1, v4;
	_ =	sdelay $0x4  }
0xc2: {  	[tilespmem:s29], [sflag:$0x1] =	stream.indirect_vreg.gather [hbm4b:s2+s3], $0x80, v4, vm0, $0xb8;
	[tilespmem:$0x18C00] =	vst v63  }
0xc3: {  	v3 =	vperm.xlane v3, v2  }
0xc4: {  	[tilespmem:s31], [sflag:$0x1] =	stream.indirect_vreg.gather [hbm4b:s5+s3], $0x80, v4, vm0, $0xb8;
	[tilespmem:$0x18C00] =	vst v63  }
0xc5: {  	s26 =	simm.s32 $0x5C00;
	v3 =	vadd.s32 v1, v3  }
0xc6: {  	[tilespmem:s26], [sflag:$0x1] =	stream.indirect_vreg.gather [hbm4b:s6+s3], $0x80, v4, vm0, $0xb8;
	[tilespmem:$0x18C00] =	vst v63  }
0xc7: {  	_ = 	snop  }
0xc8: {  	[tilespmem:s0], [sflag:$0x1] =	stream.indirect_vreg.gather [hbm4b:s7+s3], $0x80, v4, vm0, $0xb8;
	[tilespmem:$0x18C00] =	vst v63  }
0xc9: {  	_ = 	snop  }
0xca: {  	[tilespmem:s4], [sflag:$0x1] =	stream.indirect_vreg.gather [hbm4b:s2+s3], $0x80, v3, vm0, $0xb8;
	[tilespmem:$0x18C00] =	vst v63  }
0xcb: {  	_ = 	snop  }
0xcc: {  	[tilespmem:s8], [sflag:$0x1] =	stream.indirect_vreg.gather [hbm4b:s5+s3], $0x80, v3, vm0, $0xb8;
	[tilespmem:$0x18C00] =	vst v63  }
0xcd: {  	_ = 	snop  }
0xce: {  	[tilespmem:s9], [sflag:$0x1] =	stream.indirect_vreg.gather [hbm4b:s6+s3], $0x80, v3, vm0, $0xb8;
	[tilespmem:$0x18C00] =	vst v63  }
0xcf: {  	_ = 	snop  }
0xd0: {  	[tilespmem:s10], [sflag:$0x1] =	stream.indirect_vreg.gather [hbm4b:s7+s3], $0x80, v3, vm0, $0xb8;
	[tilespmem:$0x18C00] =	vst v63  }
0xd1: {  	_ =	swait.ge [sflag:s14], $0x8000  }
0xd2: {  	s1 =	rddreg [dreg:$0x3]  }
0xd3: {  	[sflag:s14] =	ssyncset.done $0x0;
	s21 =	sadd.s32 s19, s1  }
0xd4: {  	s26 =	simm.s32 $0x8C00;
	[sflag:s14] =	ssyncadd.s32 $0xFFFF8000;
	s20 =	sadd.s32 $0x1000, s21  }
0xd5: {  	[hbm4b:s20+s3] =	stream.linear.scatter [tilespmem:s26], [sflag:$0x5], $0x8000, $0x38;
	[tilespmem:$0x18C00] =	vst v63  }
0xd6: {  	_ =	swait.ge [sflag:s15], $0x8000  }
0xd7: {  	[sflag:s15] =	ssyncset.done $0x0  }
0xd8: {  	[sflag:s15] =	ssyncadd.s32 $0xFFFF8000  }
0xd9: {  	v3 =	vld [tilespmem:s18+$0xFFFFFFD0];
	_ =	sdelay $0x4  }
0xda: {  	v60 =	vshll.u32 v3, $0x3  }
0xdb: {  	v3 =	vand.u32 $0x7, v3;
	v4 =	vand.u32 $0xFFFFFFC0, v60  }
0xdc: {  	v3 =	vor.u32 v3, v4  }
0xdd: {  	v4 =	vperm.xlane v3, v0;
	_ =	sdelay $0x1  }
0xde: {  	v4 =	vadd.s32 v1, v4;
	_ =	sdelay $0x4  }
0xdf: {  	[tilespmem:s26], [sflag:$0x2] =	stream.indirect_vreg.gather [hbm4b:s2+s3], $0x80, v4, vm0, $0xb8;
	[tilespmem:$0x18C00] =	vst v63  }
0xe0: {  	v3 =	vperm.xlane v3, v2  }
0xe1: {  	[tilespmem:s13], [sflag:$0x2] =	stream.indirect_vreg.gather [hbm4b:s5+s3], $0x80, v4, vm0, $0xb8;
	[tilespmem:$0x18C00] =	vst v63  }
0xe2: {  	v3 =	vadd.s32 v1, v3  }
0xe3: {  	[tilespmem:s24], [sflag:$0x2] =	stream.indirect_vreg.gather [hbm4b:s6+s3], $0x80, v4, vm0, $0xb8;
	[tilespmem:$0x18C00] =	vst v63  }
0xe4: {  	s26 =	simm.s32 $0xA400  }
0xe5: {  	[tilespmem:s26], [sflag:$0x2] =	stream.indirect_vreg.gather [hbm4b:s7+s3], $0x80, v4, vm0, $0xb8;
	[tilespmem:$0x18C00] =	vst v63  }
0xe6: {  	s22 =	simm.s32 $0xAC00  }
0xe7: {  	[tilespmem:s22], [sflag:$0x2] =	stream.indirect_vreg.gather [hbm4b:s2+s3], $0x80, v3, vm0, $0xb8;
	[tilespmem:$0x18C00] =	vst v63  }
0xe8: {  	s26 =	simm.s32 $0xB400  }
0xe9: {  	[tilespmem:s26], [sflag:$0x2] =	stream.indirect_vreg.gather [hbm4b:s5+s3], $0x80, v3, vm0, $0xb8;
	[tilespmem:$0x18C00] =	vst v63  }
0xea: {  	s22 =	simm.s32 $0xBC00  }
0xeb: {  	[tilespmem:s22], [sflag:$0x2] =	stream.indirect_vreg.gather [hbm4b:s6+s3], $0x80, v3, vm0, $0xb8;
	[tilespmem:$0x18C00] =	vst v63  }
0xec: {  	s26 =	simm.s32 $0xC400  }
0xed: {  	[tilespmem:s26], [sflag:$0x2] =	stream.indirect_vreg.gather [hbm4b:s7+s3], $0x80, v3, vm0, $0xb8;
	[tilespmem:$0x18C00] =	vst v63  }
0xee: {  	v3 =	vld [tilespmem:s18+$0xFFFFFFE0];
	_ =	sdelay $0x4  }
0xef: {  	v61 =	vshll.u32 v3, $0x3  }
0xf0: {  	v3 =	vand.u32 $0x7, v3;
	v4 =	vand.u32 $0xFFFFFFC0, v61  }
0xf1: {  	v3 =	vor.u32 v3, v4  }
0xf2: {  	v4 =	vperm.xlane v3, v0;
	_ =	sdelay $0x1  }
0xf3: {  	v4 =	vadd.s32 v1, v4;
	_ =	sdelay $0x3  }
0xf4: {  	s22 =	simm.s32 $0xCC00  }
0xf5: {  	[tilespmem:s22], [sflag:$0x2] =	stream.indirect_vreg.gather [hbm4b:s2+s3], $0x80, v4, vm0, $0xb8;
	[tilespmem:$0x18C00] =	vst v63  }
0xf6: {  	s26 =	simm.s32 $0xD400;
	v3 =	vperm.xlane v3, v2  }
0xf7: {  	[tilespmem:s26], [sflag:$0x2] =	stream.indirect_vreg.gather [hbm4b:s5+s3], $0x80, v4, vm0, $0xb8;
	[tilespmem:$0x18C00] =	vst v63  }
0xf8: {  	v3 =	vadd.s32 v1, v3;
	s22 =	simm.s32 $0xDC00  }
0xf9: {  	[tilespmem:s22], [sflag:$0x2] =	stream.indirect_vreg.gather [hbm4b:s6+s3], $0x80, v4, vm0, $0xb8;
	[tilespmem:$0x18C00] =	vst v63  }
0xfa: {  	s26 =	simm.s32 $0xE400  }
0xfb: {  	[tilespmem:s26], [sflag:$0x2] =	stream.indirect_vreg.gather [hbm4b:s7+s3], $0x80, v4, vm0, $0xb8;
	[tilespmem:$0x18C00] =	vst v63  }
0xfc: {  	s22 =	simm.s32 $0xEC00  }
0xfd: {  	[tilespmem:s22], [sflag:$0x2] =	stream.indirect_vreg.gather [hbm4b:s2+s3], $0x80, v3, vm0, $0xb8;
	[tilespmem:$0x18C00] =	vst v63  }
0xfe: {  	s26 =	simm.s32 $0xF400  }
0xff: {  	[tilespmem:s26], [sflag:$0x2] =	stream.indirect_vreg.gather [hbm4b:s5+s3], $0x80, v3, vm0, $0xb8;
	[tilespmem:$0x18C00] =	vst v63  }
0x100: {  	s22 =	simm.s32 $0xFC00  }
0x101: {  	[tilespmem:s22], [sflag:$0x2] =	stream.indirect_vreg.gather [hbm4b:s6+s3], $0x80, v3, vm0, $0xb8;
	[tilespmem:$0x18C00] =	vst v63  }
0x102: {  	s26 =	simm.s32 $0x10400  }
0x103: {  	[tilespmem:s26], [sflag:$0x2] =	stream.indirect_vreg.gather [hbm4b:s7+s3], $0x80, v3, vm0, $0xb8;
	[tilespmem:$0x18C00] =	vst v63  }
0x104: {  	_ =	swait.ge [sflag:s16], $0x8000  }
0x105: {  	[sflag:s16] =	ssyncset.done $0x0  }
0x106: {  	s1 =	sadd.s32 $0x2000, s21;
	s26 =	simm.s32 $0x10C00;
	[sflag:s16] =	ssyncadd.s32 $0xFFFF8000  }
0x107: {  	[hbm4b:s1+s3] =	stream.linear.scatter [tilespmem:s26], [sflag:$0x6], $0x8000, $0x38;
	[tilespmem:$0x18C00] =	vst v63  }
0x108: {  	_ =	swait.ge [sflag:s17], $0x8000  }
0x109: {  	[sflag:s17] =	ssyncset.done $0x0  }
0x10a: {  	[sflag:s17] =	ssyncadd.s32 $0xFFFF8000  }
0x10b: {  	v3 =	vld [tilespmem:s18+$0xFFFFFFF0];
	_ =	sdelay $0x4  }
0x10c: {  	v62 =	vshll.u32 v3, $0x3  }
0x10d: {  	v3 =	vand.u32 $0x7, v3;
	v4 =	vand.u32 $0xFFFFFFC0, v62  }
0x10e: {  	v3 =	vor.u32 v3, v4  }
0x10f: {  	v4 =	vperm.xlane v3, v0;
	_ =	sdelay $0x1  }
0x110: {  	v4 =	vadd.s32 v1, v4;
	_ =	sdelay $0x4  }
0x111: {  	[tilespmem:s26], [sflag:$0x3] =	stream.indirect_vreg.gather [hbm4b:s2+s3], $0x80, v4, vm0, $0xb8;
	[tilespmem:$0x18C00] =	vst v63  }
0x112: {  	v3 =	vperm.xlane v3, v2;
	s26 =	simm.s32 $0x11400  }
0x113: {  	[tilespmem:s26], [sflag:$0x3] =	stream.indirect_vreg.gather [hbm4b:s5+s3], $0x80, v4, vm0, $0xb8;
	[tilespmem:$0x18C00] =	vst v63  }
0x114: {  	v3 =	vadd.s32 v1, v3;
	s26 =	simm.s32 $0x11C00  }
0x115: {  	[tilespmem:s26], [sflag:$0x3] =	stream.indirect_vreg.gather [hbm4b:s6+s3], $0x80, v4, vm0, $0xb8;
	[tilespmem:$0x18C00] =	vst v63  }
0x116: {  	s26 =	simm.s32 $0x12400  }
0x117: {  	[tilespmem:s26], [sflag:$0x3] =	stream.indirect_vreg.gather [hbm4b:s7+s3], $0x80, v4, vm0, $0xb8;
	[tilespmem:$0x18C00] =	vst v63  }
0x118: {  	s26 =	simm.s32 $0x12C00  }
0x119: {  	[tilespmem:s26], [sflag:$0x3] =	stream.indirect_vreg.gather [hbm4b:s2+s3], $0x80, v3, vm0, $0xb8;
	[tilespmem:$0x18C00] =	vst v63  }
0x11a: {  	s26 =	simm.s32 $0x13400  }
0x11b: {  	[tilespmem:s26], [sflag:$0x3] =	stream.indirect_vreg.gather [hbm4b:s5+s3], $0x80, v3, vm0, $0xb8;
	[tilespmem:$0x18C00] =	vst v63  }
0x11c: {  	s26 =	simm.s32 $0x13C00  }
0x11d: {  	[tilespmem:s26], [sflag:$0x3] =	stream.indirect_vreg.gather [hbm4b:s6+s3], $0x80, v3, vm0, $0xb8;
	[tilespmem:$0x18C00] =	vst v63  }
0x11e: {  	s26 =	simm.s32 $0x14400  }
0x11f: {  	[tilespmem:s26], [sflag:$0x3] =	stream.indirect_vreg.gather [hbm4b:s7+s3], $0x80, v3, vm0, $0xb8;
	[tilespmem:$0x18C00] =	vst v63  }
0x120: {  	v3 =	vld [tilespmem:s18+$0x0];
	_ =	sdelay $0x4  }
0x121: {  	v63 =	vshll.u32 v3, $0x3  }
0x122: {  	v3 =	vand.u32 $0x7, v3;
	v4 =	vand.u32 $0xFFFFFFC0, v63  }
0x123: {  	v3 =	vor.u32 v3, v4  }
0x124: {  	v4 =	vperm.xlane v3, v0;
	_ =	sdelay $0x1  }
0x125: {  	v4 =	vadd.s32 v1, v4;
	_ =	sdelay $0x3  }
0x126: {  	s26 =	simm.s32 $0x14C00  }
0x127: {  	[tilespmem:s26], [sflag:$0x3] =	stream.indirect_vreg.gather [hbm4b:s2+s3], $0x80, v4, vm0, $0xb8;
	[tilespmem:$0x18C00] =	vst v63  }
0x128: {  	v3 =	vperm.xlane v3, v2;
	s26 =	simm.s32 $0x15400  }
0x129: {  	[tilespmem:s26], [sflag:$0x3] =	stream.indirect_vreg.gather [hbm4b:s5+s3], $0x80, v4, vm0, $0xb8;
	[tilespmem:$0x18C00] =	vst v63  }
0x12a: {  	v3 =	vadd.s32 v1, v3;
	s26 =	simm.s32 $0x15C00  }
0x12b: {  	[tilespmem:s26], [sflag:$0x3] =	stream.indirect_vreg.gather [hbm4b:s6+s3], $0x80, v4, vm0, $0xb8;
	[tilespmem:$0x18C00] =	vst v63  }
0x12c: {  	s26 =	simm.s32 $0x16400  }
0x12d: {  	[tilespmem:s26], [sflag:$0x3] =	stream.indirect_vreg.gather [hbm4b:s7+s3], $0x80, v4, vm0, $0xb8;
	[tilespmem:$0x18C00] =	vst v63  }
0x12e: {  	s26 =	simm.s32 $0x16C00  }
0x12f: {  	[tilespmem:s26], [sflag:$0x3] =	stream.indirect_vreg.gather [hbm4b:s2+s3], $0x80, v3, vm0, $0xb8;
	[tilespmem:$0x18C00] =	vst v63  }
0x130: {  	s26 =	simm.s32 $0x17400  }
0x131: {  	[tilespmem:s26], [sflag:$0x3] =	stream.indirect_vreg.gather [hbm4b:s5+s3], $0x80, v3, vm0, $0xb8;
	[tilespmem:$0x18C00] =	vst v63  }
0x132: {  	s26 =	simm.s32 $0x17C00  }
0x133: {  	[tilespmem:s26], [sflag:$0x3] =	stream.indirect_vreg.gather [hbm4b:s6+s3], $0x80, v3, vm0, $0xb8;
	[tilespmem:$0x18C00] =	vst v63  }
0x134: {  	p0 =	sne.s32 s19, $0x5A000;
	s26 =	simm.s32 $0x18400  }
0x135: {  	[tilespmem:s26], [sflag:$0x3] =	stream.indirect_vreg.gather [hbm4b:s7+s3], $0x80, v3, vm0, $0xb8;
	[tilespmem:$0x18C00] =	vst v63  }
.Ltmp0:
0x136: {  	_ =	swait.ge [sflag:s11], $0x8000;
	(pc) =	sbr.rel @p0 .LBB2_2-.Ltmp0, $4  }
0x137: {  	s19 =	sadd.s32 $0x3000, s19;
	s21 =	sadd.s32 $0x3000, s21;
	[sflag:s11] =	ssyncset.done $0x0  }
0x138: {  	s20 =	simm.s32 $0x8C00;
	s22 =	simm.s32 $0x1C00;
	[sflag:s11] =	ssyncadd.s32 $0xFFFF8000  }
0x139: {  	[hbm4b:s21+s3] =	stream.linear.scatter [tilespmem:s30], [sflag:$0x4], $0x8000, $0x38;
	[tilespmem:$0x18C00] =	vst v63  }
0x13a: {  	s1 =	simm.s32 $0x10C00;
	s18 =	sadd.s32 $0x60, s18;
	s21 =	simm.s32 $0x1400  }
0x13b: {  	_ =	swait.ge [sflag:s14], $0x8000  }
0x13c: {  	[sflag:s14] =	ssyncset.done $0x0  }
0x13d: {  	s18 =	rddreg [dreg:$0x6];
	[sflag:s14] =	ssyncadd.s32 $0xFFFF8000  }
0x13e: {  	[hbm4b:s18+s3] =	stream.linear.scatter [tilespmem:s20], [sflag:$0x5], $0x8000, $0x38;
	[tilespmem:$0x18C00] =	vst v63  }
0x13f: {  	_ =	swait.ge [sflag:s16], $0x8000  }
0x140: {  	[sflag:s16] =	ssyncset.done $0x0  }
0x141: {  	s25 =	rddreg [dreg:$0x7];
	[sflag:s16] =	ssyncadd.s32 $0xFFFF8000  }
0x142: {  	[hbm4b:s25+s3] =	stream.linear.scatter [tilespmem:s1], [sflag:$0x6], $0x8000, $0x38;
	[tilespmem:$0x18C00] =	vst v63  }
0x143: {  	_ =	swait.ge [sflag:s12], $0x8000  }
0x144: {  	[sflag:s12] =	ssyncset.done $0x0  }
0x145: {  	[sflag:s12] =	ssyncadd.s32 $0xFFFF8000  }
0x146: {  	_ =	swait.ge [sflag:s15], $0x8000  }
0x147: {  	[sflag:s15] =	ssyncset.done $0x0  }
0x148: {  	[sflag:s15] =	ssyncadd.s32 $0xFFFF8000  }
0x149: {  	_ =	swait.ge [sflag:s17], $0x8000  }
0x14a: {  	s19 =	simm.s32 $0x2400;
	s0 =	rddreg [dreg:$0x9]  }
0x14b: {  	s23 =	simm.s32 $0x2C00;
	s26 =	rddreg [dreg:$0x8];
	s0 =	sadd.s32 $0x1, s0  }
0x14c: {  	s24 =	simm.s32 $0x3400;
	s28 =	simm.s32 $0x4C00;
	p0 =	sne.s32 s0, s26  }
.Ltmp1:
0x14d: {  	s29 =	simm.s32 $0x5400;
	s31 =	simm.s32 $0x5C00;
	(pc) =	sbr.rel @p0 .LBB2_1-.Ltmp1, $4  }
0x14e: {  	s4 =	simm.s32 $0x6C00;
	s8 =	simm.s32 $0x7400;
	s9 =	simm.s32 $0x7C00  }
0x14f: {  	s10 =	simm.s32 $0x8400;
	s13 =	simm.s32 $0x9400;
	[sflag:s17] =	ssyncset.done $0x0  }
0x150: {  	s30 =	simm.s32 $0x9C00;
	s25 =	simm.s32 $0x3C00;
	[sflag:s17] =	ssyncadd.s32 $0xFFFF8000  }
0x151: {  	[dreg:$0x9] =	wrdreg s0;
	s26 =	simm.s32 $0x4400;
	s0 =	simm.s32 $0x6400  }
0x152: {  	_ =	sfence.sel $0x180000  }
0x153: {  	[bflag:$0x0] =	sbarrier.arrive $0xFFFF  }
0x154: {  	_ =	strace $0x90000047  }
0x155: {  	s0 =	stileid.u32;
	[bflag:$0x2] =	sbarrier.arrive $0xFFFF  }
0x156: {  	p0 =	sne.s32 s0, $0x0;
	s0 =	rddreg [dreg:$0x2]  }
0x157: {  	s0 =	sadd.s32 @!p0 $0x100000, s0  }
0x158: {  	[sflag:s0] =	ssyncadd.tile.s32 @!p0 $0x1;
	_ =	shalt  }
.Lfunc_end2:
_tile_overlayer_lowered:
.L_overlay_start_2:
0x159: {  	(tag) =	ssettag $0x2  }
0x15a: {  	s0 =	rddreg [dreg:$0x0];
	s2 =	stileid.u32  }
0x15b: {  	s1 =	rddreg [dreg:$0x1];
	p0 =	sne.s32 s2, $0x0  }
0x15c: {  	s3 =	rddreg [dreg:$0x2];
	[bflag:$0x3] =	sbarrier.arrive $0xFFFF;
	s2 =	simm.s32 @!p0 $0x1C07  }
0x15d: {  	[timem:s3], [sflag:s2] =	dma.local @!p0 [hbm:s0], s1  }
0x15e: {  	s0 =	simm.s32 @!p0 $0x7  }
0x15f: {  	_ =	swait.ge @!p0 [sflag:s0], s1  }
0x160: {  	s1 =	ssub.s32 @!p0 $0x0, s1;
	[sflag:s0] =	ssyncset.done @!p0 $0x0  }
0x161: {  	[sflag:s0] =	ssyncadd.s32 @!p0 s1  }
0x162: {  	[bflag:$0x3] =	sbarrier.arrive $0xFFFF  }
0x163: {  	_ =	shalt  }

// kernel: sparse-core-data-format-call.cloned.1.call-start
scs
called_computation_lowered:
.L_overlay_start_0:
0x0: {  	s2 =	sld [smem:$0x3FD9]  }
0x1: {  	s3 =	sld [smem:$0x3FFE];
	_ =	sdelay $0x1  }
0x2: {  	s1 =	srdreg.scid  }
0x3: {  	s0 =	sand.u32 $0x1, s1  }
0x4: {  	s18 =	sshll.u32 s0, $0xA;
	s2 =	sadd.s32 s3, s2  }
0x5: {  	s2 =	sadd.s32 s2, s18  }
0x6: {  	[smem:$0x3FC6] =	sst s2  }
0x7: {  	_ = 	snop  }
0x8: {  	s2 =	sld [smem:$0x3FD0];
	(tm) =	ssettm $0x1  }
0x9: {  	s19 =	sld [smem:$0x3FFB];
	_ =	sdelay $0x3  }
0xa: {  	_ =	strace s19  }
0xb: {  	s3 =	sld [smem:$0x3FFC];
	_ =	sdelay $0x3  }
0xc: {  	_ =	strace s3  }
0xd: {  	s3 =	sld [smem:$0x3FFD];
	_ =	sdelay $0x3  }
0xe: {  	_ =	strace s3  }
0xf: {  	_ =	strace $0x8FFFFFFF  }
0x10: {  	s20 =	sld [smem:$0x3FDB];
	_ =	sdelay $0x1  }
0x11: {  	s4 =	simm.s32 $_scs_section_size  }
0x12: {  	s5 =	simm.s32 $_size__tile_overlayer_lowered;
	s6 =	simm.s32 $_tile_overlayer_lowered  }
0x13: {  	s23 =	simm.s32 $0x1BFF;
	s22 =	sshll.u32 s6, $0x1;
	s3 =	sadd.s32 s4, s20  }
0x14: {  	s7 =	simm.s32 $0x0;
	s21 =	sshll.u32 s5, $0x1;
	s5 =	sadd.s32 s22, s3  }
0x15: {  	[timem:s7], [sflag:s23] =	dma.local [hbm:s5], s21  }
0x16: {  	_ =	swait.ge [sflag:s23], s21  }
0x17: {  	s4 =	ssub.s32 $0x0, s21;
	[sflag:s23] =	ssyncset.done $0x0  }
0x18: {  	[sflag:s23] =	ssyncadd.s32 s4;
	_ =	sdelay $0x1  }
0x19: {  	s24 =	simm.s32 $0x1B8B  }
0x1a: {  	_ =	swait.ge [sflag:s24], $0x1  }
0x1b: {  	[sflag:s24] =	ssyncset.done $0x0  }
0x1c: {  	s26 =	simm.s32 $0x1B8E;
	s25 =	sld [smem:$0x3FFE];
	[sflag:s24] =	ssyncadd.s32 $0xFFFFFFFF  }
0x1d: {  	s27 =	simm.s32 $execute0_lowered;
	[smem:$0x3FD2] =	sst s26  }
0x1e: {  	s5 =	sshll.u32 s27, $0x1;
	_ =	strace $0x80000049;
	[dreg:$0x1] =	wrdreg $0xFFFFFFFF  }
0x1f: {  	s28 =	simm.s32 $_size_execute0_lowered;
	s3 =	sadd.s32 s3, s5;
	[dreg:$0x0] =	wrdreg $0x0  }
0x20: {  	s5 =	sshll.u32 s28, $0x1;
	[dreg:$0x2] =	wrdreg s3  }
0x21: {  	[dreg:$0x3] =	wrdreg s5  }
0x22: {  	[dreg:$0x4] =	wrdreg $0xC0  }
0x23: {  	_ =	task [dreg:s7], $0x5FFFF  }
0x24: {  	[dreg:$0x1] =	wrdreg $0xFFFFFFFF  }
0x25: {  	[dreg:$0x0] =	wrdreg $0x60  }
0x26: {  	[dreg:$0x2] =	wrdreg s25  }
0x27: {  	[dreg:$0x3] =	wrdreg s2  }
0x28: {  	[dreg:$0x4] =	wrdreg $0x9  }
0x29: {  	_ =	task.clear_ibuf [dreg:s7], $0x5FFFF;
	_ =	strace $0x90000049  }
0x2a: {  	s29 =	simm.s32 $0x9;
	_ =	strace $0x8000004B  }
0x2b: {  	_ =	swait.ge [sflag:s29], $0x1  }
0x2c: {  	[sflag:s29] =	ssyncadd.s32 $0xFFFFFFFF  }
0x2d: {  	_ =	strace $0x9000004B  }
0x2e: {  	_ =	sfence  }
0x2f: {  	s30 =	sld [smem:$0x0];
	_ =	sdelay $0x2  }
0x30: {  	s31 =	sshll.u32 s1, $0xD;
	s1 =	sshrl.u32 s1, $0x2  }
0x31: {  	s3 =	sand.u32 $0x4000, s31;
	s1 =	sadd.s32 s1, s30  }
0x32: {  	s0 =	sor.u32 s3, s0;
	s1 =	sshll.u32 s1, $0x11  }
0x33: {  	s0 =	sor.u32 s1, s0  }
0x34: {  	s0 =	sadd.s32 $0x8F2B, s0  }
0x35: {  	[sflag:s0] =	ssyncadd.remote.s32 $0x1  }
0x36: {  	_ =	sfence.sel $0xFFFF  }
0x37: {  	[dreg:$0x0] =	wrdreg $0xFFFFFFFF;
	(pc) =	sbr.abs _section_cstart, $3  }
0x38: {  	[dreg:$0x1] =	wrdreg $0xFFFFFFFF  }
0x39: {  	_ =	task.clear_ibuf [dreg:s7], $0x2FFFF;
	_ =	strace $0x9FFFFFFF  }
0x3a: {  	(tm) =	ssettm $0x7FFFFFFF  }
0x3b: {  	_ =	shalt  }
tec
execute0_lowered:
.L_overlay_start_1:
0x0: {  	(tag) =	ssettag $0x1  }
0x1: {  	s0 =	srdreg.scid;
	s6 =	rddreg [dreg:$0x0]  }
0x2: {  	s3 =	rddreg [dreg:$0x1];
	s1 =	sshll.u32 s0, $0x4  }
0x3: {  	s5 =	simm.s32 $0x1;
	s0 =	stileid.u32;
	s1 =	sand.u32 $0x10, s1  }
0x4: {  	s31 =	simm.s32 $0x2;
	s16 =	simm.s32 $0x0;
	s1 =	sor.u32 s0, s1  }
0x5: {  	s8 =	simm.s32 $0x8000;
	s18 =	simm.s32 $0x0;
	s2 =	sshll.u32 s1, $0x7  }
0x6: {  	s17 =	simm.s32 $0x0;
	s9 =	simm.s32 $0x0;
	s4 =	ssub.s32 $0x1000, s2  }
0x7: {  	s10 =	simm.s32 $0x0;
	s11 =	simm.s32 $0x0;
	s30 =	sand.u32 $0xF80, s4  }
0x8: {  	s12 =	simm.s32 $0x0;
	s13 =	simm.s32 $0x0;
	p0 =	sne.s32 s30, $0x0  }
.Ltmp0:
0x9: {  	s7 =	sshrl.u32 s4, $0xC;
	s5 =	simm.s32 @!p0 $0x0;
	(pc) =	sbr.rel .LBB1_1-.Ltmp0, $4  }
0xa: {  	s15 =	simm.s32 $0x0;
	s1 =	rddreg [dreg:$0x2];
	s5 =	sadd.s32 s5, s7  }
0xb: {  	_ =	strace $0x8000004A;
	s4 =	simm.s32 $0x1;
	s5 =	smul.u32 $0xA0, s5  }
0xc: {  	s6 =	sadd.s32 $0x3A00, s6;
	s14 =	smov.u32 s2;
	[sflag:s4] =	ssyncpa.u1 $0x0  }
0xd: {  	[sflag:s31] =	ssyncpa.u1 $0x0;
	p0 =	por $0x0, $0x0;
	s7 =	sor.u32 $0x1, s5  }
.LBB1_4:
0xe: {  	s23 =	sshra.s32 s23, $0x2;
	s30 =	sshll.u32 s9, $0xC  }
0xf: {  	p1 =	sgt.s32 s10, $0x13;
	s24 =	smov.u32 s10;
	s25 =	sshra.s32 s10, $0x1F  }
0x10: {  	s26 =	sshll.u32 s11, $0x3;
	s28 =	smov.u32 s11;
	s29 =	sshra.s32 s11, $0x1F  }
0x11: {  	s22 =	sadd.s32 s23, s22;
	s24 =	simm.s32 @!p1 $0x13;
	s25 =	sand.u32 s25, s10  }
0x12: {  	s23 =	sand.u32 $0xFFFF8000, s30;
	s27 =	sand.u32 $0xFFFFFC00, s26;
	p1 =	sgt.s32 s9, $0x368  }
0x13: {  	s31 =	sand.u32 s29, s11;
	s29 =	sshll.u32 s9, $0x7;
	s30 =	sshra.s32 s9, $0x1F  }
0x14: {  	[tilespmem:s21+$0x2040 ss:$0x81] =	vst.msk $0xffff, v4;
	s24 =	ssub.s32 s24, s25;
	s23 =	sadd.s32 s27, s23;
	s27 =	smov.u32 s9  }
0x15: {  	[tilespmem:s21+$0x2850 ss:$0x81] =	vst.msk $0xffff, v3;
	s29 =	sand.u32 $0x380, s29;
	s25 =	sadd.s32 $0xFFFFFFED, s24;
	s27 =	simm.s32 @!p1 $0x368  }
0x16: {  	v5 =	vld [tilespmem:s20+$0xFFFFFFD0];
	[tilespmem:s21+$0x3060 ss:$0x81] =	vst.msk $0xffff, v2;
	p1 =	sgt.s32 s11, $0xF80;
	s23 =	sshrl.u32 s23, $0xC;
	s24 =	ssub.s32 $0x14, s24  }
0x17: {  	v58 =	vld [tilespmem:s20+$0xFFFFFFE0];
	[tilespmem:s21+$0x0 ss:$0x81] =	vst.msk $0xffff, v1;
	s28 =	simm.s32 @!p1 $0xF80;
	p1 =	sgt.s32 s25, $0x0;
	s21 =	smulhi.u32 $0x418938, s23  }
0x18: {  	v59 =	vld [tilespmem:s20+$0xFFFFFFF0];
	s25 =	ssub.s32 s28, s31;
	s28 =	sand.u32 s30, s9;
	s24 =	simm.s32 @p1 $0x0  }
0x19: {  	v60 =	vld [tilespmem:s20+$0x0];
	s27 =	ssub.s32 s27, s28;
	s31 =	sadd.s32 $0xFFFFF080, s25;
	s25 =	ssub.s32 $0x1000, s25  }
0x1a: {  	v61 =	vld [tilespmem:s20+$0x10];
	[tilespmem:s22+$0x3870 ss:$0x81] =	vst.msk $0xffff, v0;
	s21 =	smul.u32 $0x3E8, s21;
	s28 =	sand.u32 $0x7, s11;
	p1 =	sgt.s32 s31, $0x7F  }
0x1b: {  	v62 =	vld [tilespmem:s20+$0x20];
	[tilespmem:s22+$0x810 ss:$0x81] =	vst.msk $0xffff, v5;
	s30 =	sadd.s32 $0xFFFFFC98, s27;
	s31 =	sand.u32 $0x78, s11;
	s25 =	simm.s32 @p1 $0x0  }
0x1c: {  	v63 =	vld [tilespmem:s20+$0xFFFFFFC0];
	[tilespmem:s22+$0x1020 ss:$0x81] =	vst.msk $0xffff, v58;
	p1 =	sgt.s32 s30, $0x7F;
	s30 =	sand.u32 $0xC00, s26;
	s24 =	smul.u32 s25, s24  }
0x1d: {  	[tilespmem:s22+$0x1830 ss:$0x81] =	vst.msk $0xffff, v59;
	s26 =	ssub.s32 $0x3E8, s27;
	s20 =	sor.u32 s31, s30;
	s31 =	smul.u32 $0x7D000, s10  }
0x1e: {  	[tilespmem:s22+$0x2040 ss:$0x81] =	vst.msk $0xffff, v60;
	s21 =	ssub.s32 s23, s21;
	s26 =	simm.s32 @p1 $0x0;
	s20 =	sor.u32 s29, s20  }
0x1f: {  	[tilespmem:s22+$0x2850 ss:$0x81] =	vst.msk $0xffff, v61;
	s26 =	smul.u32 s26, s24;
	s20 =	sshrl.u32 s20, $0x3;
	s27 =	sadd.s32 s3, s31  }
0x20: {  	[tilespmem:s22+$0x3060 ss:$0x81] =	vst.msk $0xffff, v62;
	s21 =	sshll.u32 s21, $0x9;
	s29 =	sshll.u32 s28, $0x12;
	s20 =	sadd.s32 s20, s27  }
0x21: {  	[tilespmem:s22+$0x0 ss:$0x81] =	vst.msk $0xffff, v63;
	s31 =	sor.u32 $0x400, s29;
	s30 =	sand.u32 $0x3FFFFFFF, s26;
	s20 =	sadd.s32 s21, s20  }
0x22: {  	[hbm4b:s20+s31] =	stream.strided.scatter [tilespmem:s19], [sflag:$0x2], s30, s8, s31, $0x20;
	[tilespmem:$0x10100] =	vst v63  }
.LBB1_5:
0x23: {  	p1 =	slt.u32 s15, $0x2  }
0x24: {  	p2 =	sgt.s32 @!p1 s18, $0x13  }
0x25: {  	s19 =	smov.u32 s18;
	s20 =	sshra.s32 @!p1 s18, $0x1F;
	p2 =	por !p2, p1  }
0x26: {  	s18 =	sand.u32 @!p1 s20, s18;
	s19 =	simm.s32 @p2 $0x13  }
0x27: {  	p3 =	sgt.s32 @!p1 s16, $0x368;
	s18 =	ssub.s32 @!p1 s19, s18  }
0x28: {  	p4 =	sgt.s32 @!p1 s17, $0xF80;
	s21 =	sshra.s32 @!p1 s17, $0x1F;
	s19 =	sadd.s32 @!p1 $0xFFFFFFED, s18  }
0x29: {  	s20 =	smov.u32 s16;
	p2 =	sgt.s32 @!p1 s19, $0x0;
	s19 =	sshra.s32 @!p1 s16, $0x1F  }
0x2a: {  	p4 =	por !p4, p1;
	s16 =	sand.u32 @!p1 s19, s16;
	s19 =	smov.u32 s17  }
0x2b: {  	p3 =	por !p3, p1;
	s17 =	sand.u32 @!p1 s21, s17;
	s19 =	simm.s32 @p4 $0xF80  }
0x2c: {  	s20 =	simm.s32 @p3 $0x368;
	s18 =	ssub.s32 @!p1 $0x14, s18;
	s17 =	ssub.s32 @!p1 s19, s17  }
0x2d: {  	p2 =	por !p2, p1;
	s16 =	ssub.s32 @!p1 s20, s16;
	s20 =	sadd.s32 @!p1 $0xFFFFF080, s17  }
0x2e: {  	s18 =	simm.s32 @!p2 $0x0;
	p3 =	sgt.s32 @!p1 s20, $0x7F  }
0x2f: {  	s19 =	sadd.s32 @!p1 $0xFFFFFC98, s16;
	s17 =	ssub.s32 @!p1 $0x1000, s17;
	p3 =	por !p3, p1  }
0x30: {  	p2 =	sgt.s32 @!p1 s19, $0x7F;
	s19 =	sadd.s32 $0x80, s12;
	s17 =	simm.s32 @!p3 $0x0  }
0x31: {  	p3 =	sgt.s32 s19, $0x3E7;
	s17 =	smul.u32 @!p1 s17, s18;
	s18 =	simm.s32 $0x1  }
0x32: {  	s16 =	ssub.s32 @!p1 $0x3E8, s16;
	p2 =	por !p2, p1;
	s18 =	simm.s32 @!p3 $0x0  }
0x33: {  	s21 =	smov.u32 s14;
	s16 =	simm.s32 @!p2 $0x0;
	s20 =	sadd.s32 s18, s13  }
0x34: {  	s16 =	smul.u32 @!p1 s16, s17;
	s17 =	sadd.s32 $0x1000, s14;
	p2 =	sgt.s32 s20, $0x13  }
0x35: {  	p0 =	por !p0, !p0;
	s22 =	simm.s32 @!p1 $0x2;
	s21 =	smov.u32 @p2 s17  }
0x36: {  	s19 =	simm.s32 @p3 $0x0;
	s20 =	simm.s32 @p2 $0x0;
	p2 =	sgt.s32 s21, $0xFFF  }
0x37: {  	s18 =	smov.u32 s10;
	s21 =	smov.u32 @p2 s2;
	p2 =	sne.s32 s15, s7  }
.Ltmp1:
0x38: {  	s10 =	smov.u32 s13;
	s16 =	sand.u32 @!p1 $0x3FFFFFFF, s16;
	(pc) =	sbr.rel @!p2 .LBB1_6-.Ltmp1, $4  }
0x39: {  	s17 =	smov.u32 s11;
	s11 =	smov.u32 s14;
	_ =	swait.ge @!p1 [sflag:s22], s16  }
0x3a: {  	s23 =	ssub.s32 @!p1 $0x0, s16;
	s16 =	smov.u32 s9;
	s9 =	smov.u32 s12  }
0x3b: {  	s12 =	smov.u32 s19;
	s13 =	smov.u32 s20;
	[sflag:s22] =	ssyncset.done @!p1 $0x0  }
0x3c: {  	s15 =	sadd.s32 $0x1, s15;
	[sflag:s22] =	ssyncadd.s32 @!p1 s23;
	s14 =	smov.u32 s21  }
.LBB1_1:
0x3d: {  	p1 =	sge.u32 s15, s5  }
0x3e: {  	s19 =	sshll.u32 @!p1 s13, $0xA  }
0x3f: {  	s20 =	sshll.u32 @!p1 s12, $0x3;
	s19 =	sand.u32 @!p1 $0xFFFFE000, s19  }
0x40: {  	s19 =	sadd.s32 @!p1 s19, s20  }
0x41: {  	s19 =	sshrl.u32 @!p1 s19, $0xA  }
0x42: {  	s20 =	smulhi.u32 @!p1 $0xAAAAAAB, s19  }
0x43: {  	s21 =	sshll.u32 @!p1 s13, $0x7;
	s23 =	smul.u32 @!p1 $0xC00, s14  }
0x44: {  	s22 =	sand.u32 @!p1 $0x78, s12;
	s21 =	sand.u32 @!p1 $0x380, s21;
	s20 =	smul.u32 @!p1 $0x18, s20  }
0x45: {  	s31 =	sadd.s32 $0xFFFFFFFF, s15;
	s21 =	sor.u32 @!p1 s22, s21;
	s22 =	sadd.s32 @!p1 s6, s23  }
0x46: {  	s21 =	sshrl.u32 @!p1 s21, $0x3;
	s19 =	ssub.s32 @!p1 s19, s20;
	s20 =	sxor.u32 @!p1 $0xFFFFFFFF, s15  }
0x47: {  	s21 =	sadd.s32 @!p1 s21, s22;
	s22 =	sand.u32 @!p1 $0x7, s12;
	s20 =	sshll.u32 @!p1 s20, $0xE  }
0x48: {  	s22 =	sshll.u32 @!p1 s22, $0x12;
	s19 =	sshll.u32 @!p1 s19, $0x7;
	s20 =	sand.u32 @!p1 $0x4000, s20  }
0x49: {  	s19 =	sadd.s32 @!p1 s19, s21;
	s21 =	sor.u32 @!p1 $0x80, s22;
	s22 =	simm.s32 @!p1 $0x6000  }
0x4a: {  	[tilespmem:s20], [sflag:$0x1] =	stream.strided.gather @!p1 [hbm4b:s19+s21], $0x4000, s22, s21, $0x38;
	[tilespmem:$0x10100] =	vst v63  }
0x4b: {  	p1 =	sge.u32 s31, s5  }
.Ltmp2:
0x4c: {  	_ = 	snop;
	(pc) =	sbr.rel @p1 .LBB1_5-.Ltmp2, $1  }
0x4d: {  	_ =	sdelay $0x3  }
0x4e: {  	s19 =	simm.s32 $0x1  }
0x4f: {  	_ =	swait.ge [sflag:s4], $0x4000;
	s19 =	simm.s32 @!p0 $0x0  }
0x50: {  	[sflag:s4] =	ssyncset.done $0x0;
	s20 =	sshll.u32 s19, $0xE  }
0x51: {  	[sflag:s4] =	ssyncadd.s32 $0xFFFFC000;
	s20 =	sor.u32 $0x40, s20  }
0x52: {  	s19 =	smul.u32 $0x10200, s19;
	v0 =	vld [tilespmem:s20+$0x30]  }
0x53: {  	v1 =	vld [tilespmem:s20+$0xFFFFFFD0]  }
0x54: {  	s19 =	sshrl.u32 s19, $0x2;
	v5 =	vld [tilespmem:s20+$0xFFFFFFE0]  }
0x55: {  	v6 =	vld [tilespmem:s20+$0xFFFFFFF0];
	s22 =	sor.u32 $0x8000, s19  }
0x56: {  	s31 =	sand.u32 $0x1, s15;
	v4 =	vld [tilespmem:s20+$0x0];
	s21 =	sadd.s32 $0x0, s22  }
0x57: {  	v3 =	vld [tilespmem:s20+$0x10];
	s19 =	smul.u32 $0x10200, s31;
	[tilespmem:s21+$0x3870 ss:$0x81] =	vst.msk $0xffff, v0  }
0x58: {  	v2 =	vld [tilespmem:s20+$0x20];
	[tilespmem:s21+$0x810 ss:$0x81] =	vst.msk $0xffff, v1  }
0x59: {  	s19 =	sshrl.u32 s19, $0x2;
	v1 =	vld [tilespmem:s20+$0xFFFFFFC0];
	[tilespmem:s21+$0x1020 ss:$0x81] =	vst.msk $0xffff, v5;
	s20 =	sadd.s32 $0x80, s20  }
0x5a: {  	s23 =	simm.s32 $0x4;
	s24 =	simm.s32 $0x8;
	s19 =	sor.u32 $0x8000, s19;
	[tilespmem:s21+$0x1830 ss:$0x81] =	vst.msk $0xffff, v6;
	v0 =	vld [tilespmem:s20+$0x30]  }
.LBB1_3:
0x5b: {  	p1 =	sne.s32 s24, $0x1FC;
	v5 =	vld [tilespmem:s20+$0xFFFFFFD0];
	[tilespmem:s21+$0x2040 ss:$0x81] =	vst.msk $0xffff, v4  }
0x5c: {  	v6 =	vld [tilespmem:s20+$0xFFFFFFE0];
	[tilespmem:s21+$0x2850 ss:$0x81] =	vst.msk $0xffff, v3  }
0x5d: {  	s25 =	sshra.s32 s23, $0x2;
	s23 =	smov.u32 s24;
	v7 =	vld [tilespmem:s20+$0xFFFFFFF0];
	[tilespmem:s21+$0x3060 ss:$0x81] =	vst.msk $0xffff, v2  }
.Ltmp3:
0x5e: {  	v4 =	vld [tilespmem:s20+$0x0];
	[tilespmem:s21+$0x0 ss:$0x81] =	vst.msk $0xffff, v1;
	s21 =	sadd.s32 s25, s22;
	(pc) =	sbr.rel @p1 .LBB1_3-.Ltmp3, $4  }
0x5f: {  	v3 =	vld [tilespmem:s20+$0x10];
	[tilespmem:s21+$0x3870 ss:$0x81] =	vst.msk $0xffff, v0  }
0x60: {  	[tilespmem:s21+$0x810 ss:$0x81] =	vst.msk $0xffff, v5;
	v2 =	vld [tilespmem:s20+$0x20]  }
0x61: {  	v1 =	vld [tilespmem:s20+$0xFFFFFFC0];
	[tilespmem:s21+$0x1020 ss:$0x81] =	vst.msk $0xffff, v6;
	s20 =	sadd.s32 $0x80, s20  }
0x62: {  	s24 =	sadd.s32 $0x4, s24;
	v0 =	vld [tilespmem:s20+$0x30];
	[tilespmem:s21+$0x1830 ss:$0x81] =	vst.msk $0xffff, v7  }
.Ltmp4:
0x63: {  	_ = 	snop;
	(pc) =	sbr.rel .LBB1_4-.Ltmp4, $1  }
0x64: {  	_ =	sdelay $0x3  }
.LBB1_6:
0x65: {  	_ =	sfence.sel $0x180000  }
0x66: {  	s2 =	simm.s32 $0x1;
	[bflag:$0x0] =	sbarrier.arrive $0xFFFF  }
0x67: {  	s31 =	simm.s32 $0x2;
	[sflag:s2] =	ssyncpa.u1 $0x1  }
0x68: {  	[sflag:s31] =	ssyncpa.u1 $0x1  }
0x69: {  	p0 =	sne.s32 s0, $0x0;
	_ =	strace $0x9000004A  }
0x6a: {  	s0 =	sadd.s32 @!p0 $0x100000, s1;
	[bflag:$0x2] =	sbarrier.arrive $0xFFFF  }
0x6b: {  	[sflag:s0] =	ssyncadd.tile.s32 @!p0 $0x1;
	_ =	shalt  }
.Lfunc_end1:
_tile_overlayer_lowered:
.L_overlay_start_2:
0x6c: {  	(tag) =	ssettag $0x2  }
0x6d: {  	s0 =	rddreg [dreg:$0x0];
	s2 =	stileid.u32  }
0x6e: {  	s1 =	rddreg [dreg:$0x1];
	p0 =	sne.s32 s2, $0x0  }
0x6f: {  	s3 =	rddreg [dreg:$0x2];
	[bflag:$0x3] =	sbarrier.arrive $0xFFFF;
	s2 =	simm.s32 @!p0 $0x1C01  }
0x70: {  	[timem:s3], [sflag:s2] =	dma.local @!p0 [hbm:s0], s1  }
0x71: {  	s0 =	simm.s32 @!p0 $0x1  }
0x72: {  	_ =	swait.ge @!p0 [sflag:s0], s1  }
0x73: {  	s1 =	ssub.s32 @!p0 $0x0, s1;
	[sflag:s0] =	ssyncset.done @!p0 $0x0  }
0x74: {  	[sflag:s0] =	ssyncadd.s32 @!p0 s1  }
0x75: {  	[bflag:$0x3] =	sbarrier.arrive $0xFFFF  }
0x76: {  	_ =	shalt  }

</sc_bundles>
